<compile_context>
chip_gen: v7x
topology: tpu7x:2x2x1
jax: 0.10.2.dev20260603
libtpu: 0.0.44.dev20260713+nightly
codegen_flags: <defaults>
</compile_context>

<pallas_src>
import functools

import jax
import jax.numpy as jnp
from jax import lax
from jax.experimental import pallas as pl
from jax.experimental.pallas import tpu as pltpu
from jax.experimental.pallas import tpu_sc as plsc

F = 128
NRBF = 16
NCGP = 512
BE = 2528
EP = 128 * BE
BA = 2000
BC = 2000
F32 = jnp.float32


def _lane_iota(shape):
    return lax.broadcasted_iota(jnp.int32, shape, 1)


def _row_iota(shape):
    return lax.broadcasted_iota(jnp.int32, shape, 0)


def _dot(a, b):
    return jnp.dot(a, b, preferred_element_type=F32)


def _dot0(a, b):
    return lax.dot_general(a, b, (((0,), (0,)), ((), ())),
                           preferred_element_type=F32)


BF = jnp.bfloat16


def _dot_bf(a, b):
    return jnp.dot(a.astype(BF), b.astype(BF), preferred_element_type=F32)


def _dot0_bf(a, b):
    return lax.dot_general(a.astype(BF), b.astype(BF), (((0,), (0,)), ((), ())),
                           preferred_element_type=F32)


def _rbf_block(dist):
    centers = _lane_iota((1, NRBF)).astype(F32) * F32(1.8 / (NRBF - 1))
    return jnp.exp(-10.0 * (dist - centers) ** 2)


def _atoms_body(z_ref, m_ref, embp_ref, wmsg_ref, acc2_ref, cnt_ref, hp_ref):
    step = pl.program_id(0)

    @pl.when(step == 0)
    def _init():
        acc2_ref[...] = jnp.zeros_like(acc2_ref)
        cnt_ref[...] = jnp.zeros_like(cnt_ref)
        hp_ref[...] = jnp.tanh(_dot(embp_ref[...], wmsg_ref[...]))

    zc = z_ref[...]
    mc = m_ref[...]
    ohz = (zc == _lane_iota((BA, F))).astype(BF)
    s = _dot_bf(ohz, embp_ref[...])
    ohm = (mc == _lane_iota((BA, NCGP))).astype(BF)
    acc2_ref[...] += _dot0_bf(ohm, s)
    cnt_ref[...] += _dot0_bf(ohm, jnp.ones((BA, F), BF))


def _atoms_call(z2, m2, embp, wmsg):
    n = z2.shape[0]
    grid = n // BA
    return pl.pallas_call(
        _atoms_body,
        grid=(grid,),
        in_specs=[
            pl.BlockSpec((BA, 1), lambda i: (i, 0)),
            pl.BlockSpec((BA, 1), lambda i: (i, 0)),
            pl.BlockSpec((F, F), lambda i: (0, 0)),
            pl.BlockSpec((F, F), lambda i: (0, 0)),
        ],
        out_specs=[
            pl.BlockSpec((NCGP, F), lambda i: (0, 0)),
            pl.BlockSpec((NCGP, F), lambda i: (0, 0)),
            pl.BlockSpec((F, F), lambda i: (0, 0)),
        ],
        out_shape=[
            jax.ShapeDtypeStruct((NCGP, F), F32),
            jax.ShapeDtypeStruct((NCGP, F), F32),
            jax.ShapeDtypeStruct((F, F), F32),
        ],
    )(z2, m2, embp, wmsg)


BE2 = 2048
NBE = EP // BE2


def _edges_body(d_ref, pz_ref, hp_ref, wrbf_ref, acc_ref):
    step = pl.program_id(0)

    @pl.when(step == 0)
    def _init():
        acc_ref[...] = jnp.zeros_like(acc_ref)

    dd = d_ref[...].reshape(1, BE2)
    pz = pz_ref[...].reshape(1, BE2)
    valid = (step * BE2 + _lane_iota((1, BE2))) < 320000
    cg = jnp.where(valid, lax.bitwise_and(pz, 1023), 1023)
    zi = lax.shift_right_logical(pz, 10)
    cent = _row_iota((NRBF, 1)).astype(F32) * F32(1.8 / (NRBF - 1))
    rbt = jnp.exp(-10.0 * (dd - cent) ** 2)
    r = _dot0_bf(rbt, wrbf_ref[...])
    ohzt = (_row_iota((F, BE2)) == zi).astype(BF)
    hr = _dot0_bf(ohzt, hp_ref[...])
    contrib = (hr * r).astype(BF)
    ohct = (_row_iota((NCGP, BE2)) == cg).astype(BF)
    acc_ref[...] += jnp.dot(ohct, contrib, preferred_element_type=F32)


def _edges_call(d2, pz2, hp, wrbf):
    return pl.pallas_call(
        _edges_body,
        grid=(NBE,),
        in_specs=[
            pl.BlockSpec((1, 1, BE2), lambda i: (i, 0, 0)),
            pl.BlockSpec((1, 1, BE2), lambda i: (i, 0, 0)),
            pl.BlockSpec((F, F), lambda i: (0, 0)),
            pl.BlockSpec((NRBF, F), lambda i: (0, 0)),
        ],
        out_specs=pl.BlockSpec((NCGP, F), lambda i: (0, 0)),
        out_shape=jax.ShapeDtypeStruct((NCGP, F), F32),
    )(d2, pz2, hp, wrbf)


def _fuse_body(acc_ref, acc2_ref, cnt_ref, mw1_ref, mb1_ref, mw2_ref, mb2_ref,
               sw1_ref, sb1_ref, sw2_ref, sb2_ref, ws_ref, embcg_ref, cgz_ref,
               mu_ref, sg_ref, cs_ref, first_ref):
    cnt = cnt_ref[...]
    s_i = (acc_ref[...] + acc2_ref[...]) / jnp.maximum(cnt, 1.0)
    t1 = jnp.tanh(_dot(s_i, mw1_ref[...]) + mb1_ref[...])
    mu_ref[...] = _dot(t1, mw2_ref[...]) + mb2_ref[...]
    t2 = jnp.tanh(_dot(s_i, sw1_ref[...]) + sb1_ref[...])
    logvar = _dot(t2, sw2_ref[...]) + sb2_ref[...]
    sg_ref[...] = 1e-12 + jnp.exp(logvar * 0.5)
    ohcg = (cgz_ref[...] == _lane_iota((NCGP, F))).astype(F32)
    cs_ref[...] = _dot(s_i, ws_ref[...]) + _dot(ohcg, embcg_ref[...])
    lt = (_row_iota((NCGP, NCGP)) > _lane_iota((NCGP, NCGP))).astype(F32)
    first_ref[...] = _dot(lt, cnt)


def _fuse_call(acc, acc2, cnt, mw1, mb1, mw2, mb2, sw1, sb1, sw2, sb2,
               ws, embcg, cgz2):
    full = lambda s: pl.BlockSpec(s, lambda: tuple(0 for _ in s))
    return pl.pallas_call(
        _fuse_body,
        in_specs=[full((NCGP, F)), full((NCGP, F)), full((NCGP, F)),
                  full((F, F)), full((1, F)), full((F, F)), full((1, F)),
                  full((F, F)), full((1, F)), full((F, F)), full((1, F)),
                  full((F, F)), full((F, F)), full((NCGP, 1))],
        out_specs=[full((NCGP, F))] * 4,
        out_shape=[jax.ShapeDtypeStruct((NCGP, F), F32)] * 4,
    )(acc, acc2, cnt, mw1, mb1, mw2, mb2, sw1, sb1, sw2, sb2, ws, embcg, cgz2)


def _cg_body(a_ref, b_ref, cs_ref, cxyz_ref, wrbf2_ref, wgate_ref, cnt_ref,
             first_ref, v0_ref, v1_ref, v2_ref, d4_ref):
    step = pl.program_id(0)

    @pl.when(step == 0)
    def _init():
        v0_ref[...] = jnp.zeros_like(v0_ref)
        v1_ref[...] = jnp.zeros_like(v1_ref)
        v2_ref[...] = jnp.zeros_like(v2_ref)

    ac = a_ref[...]
    bc = b_ref[...]
    oha = (ac == _lane_iota((BC, NCGP))).astype(F32)
    ohb = (bc == _lane_iota((BC, NCGP))).astype(F32)
    dv = _dot(ohb - oha, cxyz_ref[...])
    cdist = jnp.sqrt(jnp.sum(dv * dv, axis=1, keepdims=True) + 1e-12)
    crb = _rbf_block(cdist)
    csb = _dot_bf(ohb, cs_ref[...])
    sm = csb * _dot(crb, wrbf2_ref[...])
    gate = jnp.tanh(_dot(sm, wgate_ref[...]))
    unit = dv / cdist
    v0_ref[...] += _dot0_bf(oha, gate * unit[:, 0:1])
    v1_ref[...] += _dot0_bf(oha, gate * unit[:, 1:2])
    v2_ref[...] += _dot0_bf(oha, gate * unit[:, 2:3])

    @pl.when(step == pl.num_programs(0) - 1)
    def _fini():
        cnt = cnt_ref[...]
        lane = _lane_iota((NCGP, F))
        w = jnp.where(lane == F - 1,
                      jnp.maximum(cnt - (F - 1), 0.0),
                      (lane < cnt).astype(F32))
        inv = 1.0 / jnp.maximum(cnt[:, 0:1], 1.0)
        offs = [jnp.sum(v_ref[...] * w, axis=1, keepdims=True) * inv
                for v_ref in (v0_ref, v1_ref, v2_ref)]
        d4_ref[...] = jnp.concatenate(
            [cxyz_ref[:, 0:1] - offs[0],
             cxyz_ref[:, 1:2] - offs[1],
             cxyz_ref[:, 2:3] - offs[2],
             first_ref[:, 0:1]], axis=1)


def _cg_call(a2, b2, cs, cxyzp, wrbf2, wgate, cnt, firstb):
    ecg = a2.shape[0]
    grid = ecg // BC
    return pl.pallas_call(
        _cg_body,
        grid=(grid,),
        in_specs=[
            pl.BlockSpec((BC, 1), lambda i: (i, 0)),
            pl.BlockSpec((BC, 1), lambda i: (i, 0)),
            pl.BlockSpec((NCGP, F), lambda i: (0, 0)),
            pl.BlockSpec((NCGP, F), lambda i: (0, 0)),
            pl.BlockSpec((NRBF, F), lambda i: (0, 0)),
            pl.BlockSpec((F, F), lambda i: (0, 0)),
            pl.BlockSpec((NCGP, F), lambda i: (0, 0)),
            pl.BlockSpec((NCGP, F), lambda i: (0, 0)),
        ],
        out_specs=[pl.BlockSpec((NCGP, F), lambda i: (0, 0))] * 3
        + [pl.BlockSpec((NCGP, 4), lambda i: (0, 0))],
        out_shape=[jax.ShapeDtypeStruct((NCGP, F), F32)] * 3
        + [jax.ShapeDtypeStruct((NCGP, 4), F32)],
    )(a2, b2, cs, cxyzp, wrbf2, wgate, cnt, firstb)


NC, NS = 2, 16
NW = NC * NS
EW = EP // NW
ECH = EW // 4


def _edge_phase1_call(src, dst, tab5):
    mesh = plsc.VectorSubcoreMesh(core_axis_name="c", subcore_axis_name="s",
                                  num_cores=NC, num_subcores=NS)
    nrow = tab5.shape[0]

    @functools.partial(
        pl.kernel, mesh=mesh,
        compiler_params=pltpu.CompilerParams(use_tc_tiling_on_sc=False,
                                             needs_layout_passes=False),
        out_type=[jax.ShapeDtypeStruct((EP,), F32),
                  jax.ShapeDtypeStruct((EP,), jnp.int32)],
        scratch_types=[pltpu.VMEM((EW,), jnp.int32),
                       pltpu.VMEM((EW,), jnp.int32),
                       pltpu.VMEM((nrow, 5), F32),
                       pltpu.VMEM((EW,), F32),
                       pltpu.VMEM((EW,), jnp.int32)],
    )
    def body(src_h, dst_h, tab_h, od_h, opz_h, src_v, dst_v, tab_v, d_v, pz_v):
        wid = lax.axis_index("s") * NC + lax.axis_index("c")
        base = wid * EW
        pltpu.sync_copy(tab_h, tab_v)
        pltpu.sync_copy(src_h.at[pl.ds(base, EW)], src_v)
        pltpu.sync_copy(dst_h.at[pl.ds(base, EW)], dst_v)
        i32_ = jnp.int32
        c0 = jnp.zeros((16,), i32_)
        c1 = jnp.full((16,), 1, i32_)
        c2 = jnp.full((16,), 2, i32_)
        c3 = jnp.full((16,), 3, i32_)
        c4 = jnp.full((16,), 4, i32_)

        def it(j, _):
            o = j * 16
            s16 = src_v[pl.ds(o, 16)]
            e16 = dst_v[pl.ds(o, 16)]
            xs = plsc.load_gather(tab_v, [s16, c0])
            ys = plsc.load_gather(tab_v, [s16, c1])
            zs = plsc.load_gather(tab_v, [s16, c2])
            mp = plsc.load_gather(tab_v, [s16, c3])
            xd = plsc.load_gather(tab_v, [e16, c0])
            yd = plsc.load_gather(tab_v, [e16, c1])
            zd = plsc.load_gather(tab_v, [e16, c2])
            zz = plsc.load_gather(tab_v, [e16, c4])
            dx = xd - xs
            dy = yd - ys
            dz = zd - zs
            q = dx * dx + dy * dy + dz * dz + 1e-12
            bits = plsc.bitcast(q, i32_)
            y = plsc.bitcast(jnp.int32(0x5F3759DF)
                             - lax.shift_right_logical(bits, 1), F32)
            y = y * (1.5 - 0.5 * q * y * y)
            y = y * (1.5 - 0.5 * q * y * y)
            y = y * (1.5 - 0.5 * q * y * y)
            d_v[pl.ds(o, 16)] = q * y
            pz_v[pl.ds(o, 16)] = (mp + zz * 1024.0).astype(i32_)
            return _

        lax.fori_loop(0, EW // 16, it, None)
        pltpu.sync_copy(d_v, od_h.at[pl.ds(base, EW)])
        pltpu.sync_copy(pz_v, opz_h.at[pl.ds(base, EW)])

    return body(src, dst, tab5)


NP2 = 10240
AW = NP2 // NW


def _decode_call(map_pad, d8, cgv8):
    mesh = plsc.VectorSubcoreMesh(core_axis_name="c", subcore_axis_name="s",
                                  num_cores=NC, num_subcores=NS)

    @functools.partial(
        pl.kernel, mesh=mesh,
        compiler_params=pltpu.CompilerParams(use_tc_tiling_on_sc=False,
                                             needs_layout_passes=False),
        out_type=jax.ShapeDtypeStruct((NP2, 8), F32),
        scratch_types=[pltpu.VMEM((AW,), jnp.int32),
                       pltpu.VMEM((AW,), jnp.int32),
                       pltpu.VMEM((NCGP, 8), F32),
                       pltpu.VMEM((AW, 8), F32),
                       pltpu.SemaphoreType.DMA],
    )
    def body(map_h, d8_h, cgv_h, rel_h, map_v, fl_v, d8_v, rel_v, sem):
        wid = lax.axis_index("s") * NC + lax.axis_index("c")
        base = wid * AW
        pltpu.sync_copy(d8_h, d8_v)
        pltpu.sync_copy(map_h.at[pl.ds(base, AW)], map_v)
        i16 = lax.iota(jnp.int32, 16)
        c0 = jnp.zeros((16,), jnp.int32)
        c1 = jnp.full((16,), 1, jnp.int32)
        c2 = jnp.full((16,), 2, jnp.int32)
        c3 = jnp.full((16,), 3, jnp.int32)

        def step(j, _):
            lanes = i16 + j * 16
            m16 = map_v[pl.ds(j * 16, 16)]
            f16 = plsc.load_gather(d8_v, [m16, c3]).astype(jnp.int32)
            ch = jnp.minimum(base + lanes - f16, F - 1)
            fl_v[pl.ds(j * 16, 16)] = m16 * F + ch
            return _

        lax.fori_loop(0, AW // 16, step, None)
        pltpu.async_copy(cgv_h.at[fl_v], rel_v, sem).wait()

        def step2(j, _):
            lanes = i16 + j * 16
            m16 = map_v[pl.ds(j * 16, 16)]
            for cc in (c0, c1, c2):
                dcol = plsc.load_gather(d8_v, [m16, cc])
                v = plsc.load_gather(rel_v, [lanes, cc]) + dcol
                plsc.store_scatter(rel_v, [lanes, cc], v)
            return _

        lax.fori_loop(0, AW // 16, step2, None)
        pltpu.sync_copy(rel_v, rel_h.at[pl.ds(base, AW)])

    return body(map_pad, d8, cgv8)


def kernel(z, xyz, cg_z, cg_xyz, nbr_list, CG_nbr_list, mapping, num_CGs,
           emb_z, W_msg, W_rbf, mu_W1, mu_b1, mu_W2, mu_b2, sg_W1, sg_b1,
           sg_W2, sg_b2, emb_cgz, W_s, W_rbf2, W_gate):
    n = xyz.shape[0]
    e = nbr_list.shape[0]
    ecg = CG_nbr_list.shape[0]

    z = z.astype(jnp.int32)
    mapping = mapping.astype(jnp.int32)
    src = nbr_list[:, 0].astype(jnp.int32)
    dst = nbr_list[:, 1].astype(jnp.int32)
    src = jnp.pad(src, (0, EP - e))
    dst = jnp.pad(dst, (0, EP - e))
    tab5 = jnp.concatenate(
        [xyz, mapping.astype(F32)[:, None], z.astype(F32)[:, None]], axis=1)

    embp = jnp.zeros((F, F), F32).at[:100].set(emb_z)
    embcgp = jnp.zeros((F, F), F32).at[:100].set(emb_cgz)
    cxyzp = jnp.zeros((NCGP, F), F32).at[:500, :3].set(cg_xyz)
    z2 = z[:, None]
    m2 = mapping[:, None]
    cgz2 = jnp.pad(cg_z.astype(jnp.int32), (0, NCGP - 500))[:, None]
    a2 = CG_nbr_list[:, 0].astype(jnp.int32)[:, None]
    b2 = CG_nbr_list[:, 1].astype(jnp.int32)[:, None]

    d_pl, pz_pl = _edge_phase1_call(src, dst, tab5)
    d2 = d_pl.reshape(NBE, 1, BE2)
    pz2 = pz_pl.reshape(NBE, 1, BE2)

    acc2, cnt, hp = _atoms_call(z2, m2, embp, W_msg)
    acc = _edges_call(d2, pz2, hp, W_rbf)
    mu, sigma, cs, firstb = _fuse_call(
        acc, acc2, cnt, mu_W1, mu_b1[None, :], mu_W2, mu_b2[None, :],
        sg_W1, sg_b1[None, :], sg_W2, sg_b2[None, :], W_s, embcgp, cgz2)
    v0, v1, v2, d4 = _cg_call(a2, b2, cs, cxyzp, W_rbf2, W_gate, cnt, firstb)

    map_pad = jnp.pad(mapping, (0, NP2 - n))
    zc = jnp.zeros((NCGP * F,), F32)
    cgv8 = jnp.stack([v0.reshape(-1), v1.reshape(-1), v2.reshape(-1),
                      zc, zc, zc, zc, zc], axis=1)
    d8 = jnp.pad(d4, ((0, 0), (0, 4)))
    rel4 = _decode_call(map_pad, d8, cgv8)
    xyz_recon = rel4[:n, :3]

    return (mu[:500], sigma[:500], xyz, xyz_recon)

# --- scband reference (transcript-rebuilt; emitter-appended) ---
"""Pipeline reference for scband-cgequi-vae-40157944217975 (READ-ONLY COPY).

The authoritative reference and input builder live on the scoring server;
editing this copy changes nothing except your own understanding.
"""

import jax, jax.numpy as jnp
import numpy as np

F = 128
NRBF = 16
N = 10000
NCG = 500
E = 320000
ECG = 16000


def _rbf(d):
    centers = jnp.linspace(0.0, 1.8, NRBF)
    return jnp.exp(-10.0 * (d[:, None] - centers) ** 2)


def _scatter_mean(vals, idx, n):
    s = jax.ops.segment_sum(vals, idx, num_segments=n)
    c = jax.ops.segment_sum(jnp.ones((vals.shape[0],), vals.dtype), idx, num_segments=n)
    return s / jnp.maximum(c, 1.0).reshape((-1,) + (1,) * (vals.ndim - 1))


def setup_inputs(seed: int = 0):
    key = jax.random.key(seed)
    ks = jax.random.split(key, 32)
    inp = {}
    inp["z"] = jax.random.randint(ks[0], (N,), 0, 100)
    inp["xyz"] = jax.random.uniform(ks[1], (N, 3), dtype=jnp.float32)
    inp["cg_z"] = jax.random.randint(ks[2], (NCG,), 0, 100)
    inp["cg_xyz"] = jax.random.uniform(ks[3], (NCG, 3), dtype=jnp.float32)
    inp["nbr_list"] = jax.random.randint(ks[4], (E, 2), 0, N)
    inp["CG_nbr_list"] = jax.random.randint(ks[5], (ECG, 2), 0, NCG)
    inp["mapping"] = jnp.sort(jax.random.randint(ks[6], (N,), 0, NCG))
    inp["num_CGs"] = jnp.array([NCG], dtype=jnp.int32)

    def p(i, shape):
        return 0.05 * jax.random.normal(ks[i], shape, dtype=jnp.float32)

    inp["emb_z"] = p(7, (100, F))
    inp["W_msg"] = p(8, (F, F))
    inp["W_rbf"] = p(9, (NRBF, F))
    inp["mu_W1"] = p(10, (F, F))
    inp["mu_b1"] = p(11, (F,))
    inp["mu_W2"] = p(12, (F, F))
    inp["mu_b2"] = p(13, (F,))
    inp["sg_W1"] = p(14, (F, F))
    inp["sg_b1"] = p(15, (F,))
    inp["sg_W2"] = p(16, (F, F))
    inp["sg_b2"] = p(17, (F,))
    inp["emb_cgz"] = p(18, (100, F))
    inp["W_s"] = p(19, (F, F))
    inp["W_rbf2"] = p(20, (NRBF, F))
    inp["W_gate"] = p(21, (F, F))
    return inp


def reference(z, xyz, cg_z, cg_xyz, nbr_list, CG_nbr_list, mapping, num_CGs, emb_z, W_msg, W_rbf, mu_W1, mu_b1, mu_W2, mu_b2, sg_W1, sg_b1, sg_W2, sg_b2, emb_cgz, W_s, W_rbf2, W_gate):
    n = xyz.shape[0]
    ncg = cg_xyz.shape[0]
    # ---- encoder: SchNet-style atom message passing, then pool atoms -> CG beads ----
    s = emb_z[z]
    src = nbr_list[:, 0]
    dst = nbr_list[:, 1]
    d = xyz[dst] - xyz[src]
    dist = jnp.sqrt(jnp.sum(d * d, axis=-1) + 1e-12)
    rb = _rbf(dist)
    h = jnp.tanh(s @ W_msg)
    msg = h[dst] * (rb @ W_rbf)
    s_i = s + jax.ops.segment_sum(msg, src, num_segments=n)
    S_I = _scatter_mean(s_i, mapping, ncg)
    # ---- variational heads ----
    mu = jnp.tanh(S_I @ mu_W1 + mu_b1) @ mu_W2 + mu_b2
    logvar = jnp.tanh(S_I @ sg_W1 + sg_b1) @ sg_W2 + sg_b2
    sigma = 1e-12 + jnp.exp(logvar / 2.0)
    z_sample = S_I  # det=True -> no reparametrize sampling
    # ---- equivariant conv on CG graph (PaiNN-style): scalar + vector channels ----
    cs = z_sample @ W_s + emb_cgz[cg_z]
    a = CG_nbr_list[:, 0]
    b = CG_nbr_list[:, 1]
    dv = cg_xyz[b] - cg_xyz[a]
    cdist = jnp.sqrt(jnp.sum(dv * dv, axis=-1) + 1e-12)
    unit = dv / cdist[:, None]
    crb = _rbf(cdist)
    sm = cs[b] * (crb @ W_rbf2)
    cg_s = cs + jax.ops.segment_sum(sm, a, num_segments=ncg)
    gate = jnp.tanh(sm @ W_gate)
    cg_v = jax.ops.segment_sum(gate[:, :, None] * unit[:, None, :], a, num_segments=ncg)
    # ---- decoder: CG2ChannelIdx + per-atom relative displacement + offset removal ----
    first = jnp.searchsorted(mapping, mapping, side='left')
    channel = jnp.arange(n) - first  # rank of each atom within its (sorted) CG bead
    xyz_rel = cg_v[mapping, channel, :]
    offs = _scatter_mean(xyz_rel, mapping, ncg)
    xyz_rel = xyz_rel - offs[mapping]
    xyz_recon = xyz_rel + cg_xyz[mapping]
    # prior_net is None -> H_prior_mu/H_prior_sigma omitted (None in original)
    return (mu, sigma, xyz, xyz_recon)

if __name__ == "__main__":
    import jax
    _d = setup_inputs()
    print(jax.jit(kernel)(*tuple(_d.values())))

</pallas_src>

<mosaic_0001>
#map = affine_map<(d0, d1) -> (0)>
#map1 = affine_map<(d0, d1) -> (0, 0)>
module attributes {stable_mosaic.version = 14 : i64} {
  func.func @body(%arg0: i32, %arg1: i32, %arg2: memref<323584xi32, #tpu.memory_space<hbm>>, %arg3: memref<323584xi32, #tpu.memory_space<hbm>>, %arg4: memref<10000x5xf32, #tpu.memory_space<hbm>>, %arg5: memref<323584xf32, #tpu.memory_space<hbm>>, %arg6: memref<323584xi32, #tpu.memory_space<hbm>>, %arg7: memref<10112xi32, #tpu.memory_space<vmem>>, %arg8: memref<10112xi32, #tpu.memory_space<vmem>>, %arg9: memref<10000x5xf32, #tpu.memory_space<vmem>>, %arg10: memref<10112xf32, #tpu.memory_space<vmem>>, %arg11: memref<10112xi32, #tpu.memory_space<vmem>>) attributes {dimension_semantics = [#tpu.dimension_semantics<core_parallel>, #tpu.dimension_semantics<subcore_parallel>], iteration_bounds = array<i64: 2, 16>, scalar_prefetch = 0 : i64, scratch_operands = 5 : i64, tpu.core_type = #tpu.core_type<sc_vector_subcore>, window_params = [{transform_indices = #map}, {transform_indices = #map}, {transform_indices = #map1}, {transform_indices = #map}, {transform_indices = #map}]} {
    %mul3A = arith.constant 2 : i32
    %mul3A_0 = arith.muli %arg1, %mul3A : i32
    %add3A = arith.addi %mul3A_0, %arg0 : i32
    %mul3A_1 = arith.constant 10112 : i32
    %mul3A_2 = arith.muli %add3A, %mul3A_1 : i32
    "tpu.region"() ({
      %run_scoped3A = tpu.sem_alloc : memref<!tpu.dma_semaphore, #tpu.memory_space<semaphore_mem>>
      tpu.enqueue_dma source(%arg4 : memref<10000x5xf32, #tpu.memory_space<hbm>>) target(%arg9 : memref<10000x5xf32, #tpu.memory_space<vmem>>) target_semaphore(%run_scoped3A : memref<!tpu.dma_semaphore, #tpu.memory_space<semaphore_mem>>)
      tpu.wait_dma2 semaphore(%run_scoped3A : memref<!tpu.dma_semaphore, #tpu.memory_space<semaphore_mem>>) src(%arg4 : memref<10000x5xf32, #tpu.memory_space<hbm>>) dst(%arg9 : memref<10000x5xf32, #tpu.memory_space<vmem>>)
      tpu.yield
    }) : () -> ()
    "tpu.region"() ({
      %run_scoped3A = tpu.sem_alloc : memref<!tpu.dma_semaphore, #tpu.memory_space<semaphore_mem>>
      %dma_start3A = tpu.memref_slice %arg2[%mul3A_2] : memref<323584xi32, #tpu.memory_space<hbm>> -> memref<10112xi32, #tpu.memory_space<hbm>>
      %dma_start3A_16 = tpu.memref_slice %arg2[%mul3A_2] : memref<323584xi32, #tpu.memory_space<hbm>> -> memref<10112xi32, #tpu.memory_space<hbm>>
      tpu.enqueue_dma source(%dma_start3A_16 : memref<10112xi32, #tpu.memory_space<hbm>>) target(%arg7 : memref<10112xi32, #tpu.memory_space<vmem>>) target_semaphore(%run_scoped3A : memref<!tpu.dma_semaphore, #tpu.memory_space<semaphore_mem>>)
      %dma_wait3A = tpu.memref_slice %arg2[%mul3A_2] : memref<323584xi32, #tpu.memory_space<hbm>> -> memref<10112xi32, #tpu.memory_space<hbm>>
      %dma_wait3A_17 = tpu.memref_slice %arg2[%mul3A_2] : memref<323584xi32, #tpu.memory_space<hbm>> -> memref<10112xi32, #tpu.memory_space<hbm>>
      tpu.wait_dma2 semaphore(%run_scoped3A : memref<!tpu.dma_semaphore, #tpu.memory_space<semaphore_mem>>) src(%dma_wait3A_17 : memref<10112xi32, #tpu.memory_space<hbm>>) dst(%arg7 : memref<10112xi32, #tpu.memory_space<vmem>>)
      tpu.yield
    }) : () -> ()
    "tpu.region"() ({
      %run_scoped3A = tpu.sem_alloc : memref<!tpu.dma_semaphore, #tpu.memory_space<semaphore_mem>>
      %dma_start3A = tpu.memref_slice %arg3[%mul3A_2] : memref<323584xi32, #tpu.memory_space<hbm>> -> memref<10112xi32, #tpu.memory_space<hbm>>
      %dma_start3A_16 = tpu.memref_slice %arg3[%mul3A_2] : memref<323584xi32, #tpu.memory_space<hbm>> -> memref<10112xi32, #tpu.memory_space<hbm>>
      tpu.enqueue_dma source(%dma_start3A_16 : memref<10112xi32, #tpu.memory_space<hbm>>) target(%arg8 : memref<10112xi32, #tpu.memory_space<vmem>>) target_semaphore(%run_scoped3A : memref<!tpu.dma_semaphore, #tpu.memory_space<semaphore_mem>>)
      %dma_wait3A = tpu.memref_slice %arg3[%mul3A_2] : memref<323584xi32, #tpu.memory_space<hbm>> -> memref<10112xi32, #tpu.memory_space<hbm>>
      %dma_wait3A_17 = tpu.memref_slice %arg3[%mul3A_2] : memref<323584xi32, #tpu.memory_space<hbm>> -> memref<10112xi32, #tpu.memory_space<hbm>>
      tpu.wait_dma2 semaphore(%run_scoped3A : memref<!tpu.dma_semaphore, #tpu.memory_space<semaphore_mem>>) src(%dma_wait3A_17 : memref<10112xi32, #tpu.memory_space<hbm>>) dst(%arg8 : memref<10112xi32, #tpu.memory_space<vmem>>)
      tpu.yield
    }) : () -> ()
    %broadcast_in_dim3A = arith.constant 0 : i32
    %broadcast_in_dim3A_3 = vector.broadcast %broadcast_in_dim3A : i32 to vector<16xi32>
    %broadcast_in_dim3A_4 = arith.constant 1 : i32
    %broadcast_in_dim3A_5 = vector.broadcast %broadcast_in_dim3A_4 : i32 to vector<16xi32>
    %broadcast_in_dim3A_6 = arith.constant 2 : i32
    %broadcast_in_dim3A_7 = vector.broadcast %broadcast_in_dim3A_6 : i32 to vector<16xi32>
    %broadcast_in_dim3A_8 = arith.constant 3 : i32
    %broadcast_in_dim3A_9 = vector.broadcast %broadcast_in_dim3A_8 : i32 to vector<16xi32>
    %broadcast_in_dim3A_10 = arith.constant 4 : i32
    %broadcast_in_dim3A_11 = vector.broadcast %broadcast_in_dim3A_10 : i32 to vector<16xi32>
    %scan3A = arith.constant 0 : i32
    %scan3A_12 = arith.constant 632 : i32
    %scan3A_13 = arith.addi %scan3A, %scan3A_12 : i32
    %scan3A_14 = arith.constant 1 : i32
    scf.for %scan3A_16 = %scan3A to %scan3A_13 step %scan3A_14  : i32 {
      %mul3A_17 = arith.constant 16 : i32
      %mul3A_18 = arith.muli %scan3A_16, %mul3A_17 : i32
      %get3A = arith.index_cast %mul3A_18 : i32 to index
      %get3A_19 = tpu.vector_load %arg7[%get3A] {strides = array<i32>} : memref<10112xi32, #tpu.memory_space<vmem>>, vector<16xi32>,
      %get3A_20 = arith.index_cast %mul3A_18 : i32 to index
      %get3A_21 = tpu.vector_load %arg8[%get3A_20] {strides = array<i32>} : memref<10112xi32, #tpu.memory_space<vmem>>, vector<16xi32>,
      %gather3A = tpu.vector_load_idx %arg9[%get3A_19, %broadcast_in_dim3A_3] : memref<10000x5xf32, #tpu.memory_space<vmem>>[vector<16xi32>, vector<16xi32>], vector<16xf32>,
      %gather3A_22 = tpu.vector_load_idx %arg9[%get3A_19, %broadcast_in_dim3A_5] : memref<10000x5xf32, #tpu.memory_space<vmem>>[vector<16xi32>, vector<16xi32>], vector<16xf32>,
      %gather3A_23 = tpu.vector_load_idx %arg9[%get3A_19, %broadcast_in_dim3A_7] : memref<10000x5xf32, #tpu.memory_space<vmem>>[vector<16xi32>, vector<16xi32>], vector<16xf32>,
      %gather3A_24 = tpu.vector_load_idx %arg9[%get3A_19, %broadcast_in_dim3A_9] : memref<10000x5xf32, #tpu.memory_space<vmem>>[vector<16xi32>, vector<16xi32>], vector<16xf32>,
      %gather3A_25 = tpu.vector_load_idx %arg9[%get3A_21, %broadcast_in_dim3A_3] : memref<10000x5xf32, #tpu.memory_space<vmem>>[vector<16xi32>, vector<16xi32>], vector<16xf32>,
      %gather3A_26 = tpu.vector_load_idx %arg9[%get3A_21, %broadcast_in_dim3A_5] : memref<10000x5xf32, #tpu.memory_space<vmem>>[vector<16xi32>, vector<16xi32>], vector<16xf32>,
      %gather3A_27 = tpu.vector_load_idx %arg9[%get3A_21, %broadcast_in_dim3A_7] : memref<10000x5xf32, #tpu.memory_space<vmem>>[vector<16xi32>, vector<16xi32>], vector<16xf32>,
      %gather3A_28 = tpu.vector_load_idx %arg9[%get3A_21, %broadcast_in_dim3A_11] : memref<10000x5xf32, #tpu.memory_space<vmem>>[vector<16xi32>, vector<16xi32>], vector<16xf32>,
      %sub3A = arith.subf %gather3A_25, %gather3A : vector<16xf32>
      %sub3A_29 = arith.subf %gather3A_26, %gather3A_22 : vector<16xf32>
      %sub3A_30 = arith.subf %gather3A_27, %gather3A_23 : vector<16xf32>
      %mul3A_31 = arith.mulf %sub3A, %sub3A : vector<16xf32>
      %mul3A_32 = arith.mulf %sub3A_29, %sub3A_29 : vector<16xf32>
      %add3A_33 = arith.addf %mul3A_31, %mul3A_32 : vector<16xf32>
      %mul3A_34 = arith.mulf %sub3A_30, %sub3A_30 : vector<16xf32>
      %add3A_35 = arith.addf %add3A_33, %mul3A_34 : vector<16xf32>
      %add3A_36 = arith.constant 9.99999996E-13 : f32
      %add3A_37 = vector.broadcast %add3A_36 : f32 to vector<16xf32>
      %add3A_38 = arith.addf %add3A_35, %add3A_37 : vector<16xf32>
      %bitcast3A = vector.bitcast %add3A_38 : vector<16xf32> to vector<16xi32>
      %shift_right_logical3A = arith.constant 1 : i32
      %shift_right_logical3A_39 = vector.broadcast %shift_right_logical3A : i32 to vector<16xi32>
      %shift_right_logical3A_40 = arith.shrui %bitcast3A, %shift_right_logical3A_39 : vector<16xi32>
      %sub3A_41 = arith.constant 1597463007 : i32
      %sub3A_42 = vector.broadcast %sub3A_41 : i32 to vector<16xi32>
      %sub3A_43 = arith.subi %sub3A_42, %shift_right_logical3A_40 : vector<16xi32>
      %bitcast3A_44 = vector.bitcast %sub3A_43 : vector<16xi32> to vector<16xf32>
      %mul3A_45 = arith.constant 5.000000e-01 : f32
      %mul3A_46 = vector.broadcast %mul3A_45 : f32 to vector<16xf32>
      %mul3A_47 = arith.mulf %mul3A_46, %add3A_38 : vector<16xf32>
      %mul3A_48 = arith.mulf %mul3A_47, %bitcast3A_44 : vector<16xf32>
      %mul3A_49 = arith.mulf %mul3A_48, %bitcast3A_44 : vector<16xf32>
      %sub3A_50 = arith.constant 1.500000e+00 : f32
      %sub3A_51 = vector.broadcast %sub3A_50 : f32 to vector<16xf32>
      %sub3A_52 = arith.subf %sub3A_51, %mul3A_49 : vector<16xf32>
      %mul3A_53 = arith.mulf %bitcast3A_44, %sub3A_52 : vector<16xf32>
      %mul3A_54 = arith.constant 5.000000e-01 : f32
      %mul3A_55 = vector.broadcast %mul3A_54 : f32 to vector<16xf32>
      %mul3A_56 = arith.mulf %mul3A_55, %add3A_38 : vector<16xf32>
      %mul3A_57 = arith.mulf %mul3A_56, %mul3A_53 : vector<16xf32>
      %mul3A_58 = arith.mulf %mul3A_57, %mul3A_53 : vector<16xf32>
      %sub3A_59 = arith.constant 1.500000e+00 : f32
      %sub3A_60 = vector.broadcast %sub3A_59 : f32 to vector<16xf32>
      %sub3A_61 = arith.subf %sub3A_60, %mul3A_58 : vector<16xf32>
      %mul3A_62 = arith.mulf %mul3A_53, %sub3A_61 : vector<16xf32>
      %mul3A_63 = arith.constant 5.000000e-01 : f32
      %mul3A_64 = vector.broadcast %mul3A_63 : f32 to vector<16xf32>
      %mul3A_65 = arith.mulf %mul3A_64, %add3A_38 : vector<16xf32>
      %mul3A_66 = arith.mulf %mul3A_65, %mul3A_62 : vector<16xf32>
      %mul3A_67 = arith.mulf %mul3A_66, %mul3A_62 : vector<16xf32>
      %sub3A_68 = arith.constant 1.500000e+00 : f32
      %sub3A_69 = vector.broadcast %sub3A_68 : f32 to vector<16xf32>
      %sub3A_70 = arith.subf %sub3A_69, %mul3A_67 : vector<16xf32>
      %mul3A_71 = arith.mulf %mul3A_62, %sub3A_70 : vector<16xf32>
      %mul3A_72 = arith.mulf %add3A_38, %mul3A_71 : vector<16xf32>
      %swap3A = arith.index_cast %mul3A_18 : i32 to index
      %swap3A_73 = tpu.vector_load %arg10[%swap3A] {strides = array<i32>} : memref<10112xf32, #tpu.memory_space<vmem>>, vector<16xf32>,
      tpu.vector_store %arg10[%swap3A], %mul3A_72 {strides = array<i32>} : memref<10112xf32, #tpu.memory_space<vmem>>, vector<16xf32>,
      %mul3A_74 = arith.constant 1.024000e+03 : f32
      %mul3A_75 = vector.broadcast %mul3A_74 : f32 to vector<16xf32>
      %mul3A_76 = arith.mulf %gather3A_28, %mul3A_75 : vector<16xf32>
      %add3A_77 = arith.addf %gather3A_24, %mul3A_76 : vector<16xf32>
      %convert_element_type3A = arith.fptosi %add3A_77 : vector<16xf32> to vector<16xi32>
      %swap3A_78 = arith.index_cast %mul3A_18 : i32 to index
      %swap3A_79 = tpu.vector_load %arg11[%swap3A_78] {strides = array<i32>} : memref<10112xi32, #tpu.memory_space<vmem>>, vector<16xi32>,
      tpu.vector_store %arg11[%swap3A_78], %convert_element_type3A {strides = array<i32>} : memref<10112xi32, #tpu.memory_space<vmem>>, vector<16xi32>,
    }
    %scan3A_15 = arith.constant 632 : i32
    "tpu.region"() ({
      %run_scoped3A = tpu.sem_alloc : memref<!tpu.dma_semaphore, #tpu.memory_space<semaphore_mem>>
      %dma_start3A = tpu.memref_slice %arg5[%mul3A_2] : memref<323584xf32, #tpu.memory_space<hbm>> -> memref<10112xf32, #tpu.memory_space<hbm>>
      %dma_start3A_16 = tpu.memref_slice %arg5[%mul3A_2] : memref<323584xf32, #tpu.memory_space<hbm>> -> memref<10112xf32, #tpu.memory_space<hbm>>
      tpu.enqueue_dma source(%arg10 : memref<10112xf32, #tpu.memory_space<vmem>>) target(%dma_start3A_16 : memref<10112xf32, #tpu.memory_space<hbm>>) target_semaphore(%run_scoped3A : memref<!tpu.dma_semaphore, #tpu.memory_space<semaphore_mem>>)
      %dma_wait3A = tpu.memref_slice %arg5[%mul3A_2] : memref<323584xf32, #tpu.memory_space<hbm>> -> memref<10112xf32, #tpu.memory_space<hbm>>
      %dma_wait3A_17 = tpu.memref_slice %arg5[%mul3A_2] : memref<323584xf32, #tpu.memory_space<hbm>> -> memref<10112xf32, #tpu.memory_space<hbm>>
      tpu.wait_dma2 semaphore(%run_scoped3A : memref<!tpu.dma_semaphore, #tpu.memory_space<semaphore_mem>>) src(%arg10 : memref<10112xf32, #tpu.memory_space<vmem>>) dst(%dma_wait3A_17 : memref<10112xf32, #tpu.memory_space<hbm>>)
      tpu.yield
    }) : () -> ()
    "tpu.region"() ({
      %run_scoped3A = tpu.sem_alloc : memref<!tpu.dma_semaphore, #tpu.memory_space<semaphore_mem>>
      %dma_start3A = tpu.memref_slice %arg6[%mul3A_2] : memref<323584xi32, #tpu.memory_space<hbm>> -> memref<10112xi32, #tpu.memory_space<hbm>>
      %dma_start3A_16 = tpu.memref_slice %arg6[%mul3A_2] : memref<323584xi32, #tpu.memory_space<hbm>> -> memref<10112xi32, #tpu.memory_space<hbm>>
      tpu.enqueue_dma source(%arg11 : memref<10112xi32, #tpu.memory_space<vmem>>) target(%dma_start3A_16 : memref<10112xi32, #tpu.memory_space<hbm>>) target_semaphore(%run_scoped3A : memref<!tpu.dma_semaphore, #tpu.memory_space<semaphore_mem>>)
      %dma_wait3A = tpu.memref_slice %arg6[%mul3A_2] : memref<323584xi32, #tpu.memory_space<hbm>> -> memref<10112xi32, #tpu.memory_space<hbm>>
      %dma_wait3A_17 = tpu.memref_slice %arg6[%mul3A_2] : memref<323584xi32, #tpu.memory_space<hbm>> -> memref<10112xi32, #tpu.memory_space<hbm>>
      tpu.wait_dma2 semaphore(%run_scoped3A : memref<!tpu.dma_semaphore, #tpu.memory_space<semaphore_mem>>) src(%arg11 : memref<10112xi32, #tpu.memory_space<vmem>>) dst(%dma_wait3A_17 : memref<10112xi32, #tpu.memory_space<hbm>>)
      tpu.yield
    }) : () -> ()
    return
  }
}

#map = affine_map<(d0, d1) -> (0)>
#map1 = affine_map<(d0, d1) -> (0, 0)>
module attributes {stable_mosaic.version = 14 : i64} {
  func.func @body(%arg0: i32, %arg1: i32, %arg2: memref<10240xi32, #tpu.memory_space<hbm>>, %arg3: memref<512x8xf32, #tpu.memory_space<hbm>>, %arg4: memref<65536x8xf32, #tpu.memory_space<hbm>>, %arg5: memref<10240x8xf32, #tpu.memory_space<hbm>>, %arg6: memref<320xi32, #tpu.memory_space<vmem>>, %arg7: memref<320xi32, #tpu.memory_space<vmem>>, %arg8: memref<512x8xf32, #tpu.memory_space<vmem>>, %arg9: memref<320x8xf32, #tpu.memory_space<vmem>>, %arg10: memref<!tpu.dma_semaphore, #tpu.memory_space<semaphore_mem>>) attributes {dimension_semantics = [#tpu.dimension_semantics<core_parallel>, #tpu.dimension_semantics<subcore_parallel>], iteration_bounds = array<i64: 2, 16>, scalar_prefetch = 0 : i64, scratch_operands = 5 : i64, tpu.core_type = #tpu.core_type<sc_vector_subcore>, window_params = [{transform_indices = #map}, {transform_indices = #map1}, {transform_indices = #map1}, {transform_indices = #map1}]} {
    %mul3A = arith.constant 2 : i32
    %mul3A_0 = arith.muli %arg1, %mul3A : i32
    %add3A = arith.addi %mul3A_0, %arg0 : i32
    %mul3A_1 = arith.constant 320 : i32
    %mul3A_2 = arith.muli %add3A, %mul3A_1 : i32
    "tpu.region"() ({
      %run_scoped3A = tpu.sem_alloc : memref<!tpu.dma_semaphore, #tpu.memory_space<semaphore_mem>>
      tpu.enqueue_dma source(%arg3 : memref<512x8xf32, #tpu.memory_space<hbm>>) target(%arg8 : memref<512x8xf32, #tpu.memory_space<vmem>>) target_semaphore(%run_scoped3A : memref<!tpu.dma_semaphore, #tpu.memory_space<semaphore_mem>>)
      tpu.wait_dma2 semaphore(%run_scoped3A : memref<!tpu.dma_semaphore, #tpu.memory_space<semaphore_mem>>) src(%arg3 : memref<512x8xf32, #tpu.memory_space<hbm>>) dst(%arg8 : memref<512x8xf32, #tpu.memory_space<vmem>>)
      tpu.yield
    }) : () -> ()
    "tpu.region"() ({
      %run_scoped3A = tpu.sem_alloc : memref<!tpu.dma_semaphore, #tpu.memory_space<semaphore_mem>>
      %dma_start3A_23 = tpu.memref_slice %arg2[%mul3A_2] : memref<10240xi32, #tpu.memory_space<hbm>> -> memref<320xi32, #tpu.memory_space<hbm>>
      %dma_start3A_24 = tpu.memref_slice %arg2[%mul3A_2] : memref<10240xi32, #tpu.memory_space<hbm>> -> memref<320xi32, #tpu.memory_space<hbm>>
      tpu.enqueue_dma source(%dma_start3A_24 : memref<320xi32, #tpu.memory_space<hbm>>) target(%arg6 : memref<320xi32, #tpu.memory_space<vmem>>) target_semaphore(%run_scoped3A : memref<!tpu.dma_semaphore, #tpu.memory_space<semaphore_mem>>)
      %dma_wait3A_25 = tpu.memref_slice %arg2[%mul3A_2] : memref<10240xi32, #tpu.memory_space<hbm>> -> memref<320xi32, #tpu.memory_space<hbm>>
      %dma_wait3A_26 = tpu.memref_slice %arg2[%mul3A_2] : memref<10240xi32, #tpu.memory_space<hbm>> -> memref<320xi32, #tpu.memory_space<hbm>>
      tpu.wait_dma2 semaphore(%run_scoped3A : memref<!tpu.dma_semaphore, #tpu.memory_space<semaphore_mem>>) src(%dma_wait3A_26 : memref<320xi32, #tpu.memory_space<hbm>>) dst(%arg6 : memref<320xi32, #tpu.memory_space<vmem>>)
      tpu.yield
    }) : () -> ()
    %iota3A = tpu.iota {dimensions = array<i32: 0>} : vector<16xi32>
    %broadcast_in_dim3A = arith.constant 0 : i32
    %broadcast_in_dim3A_3 = vector.broadcast %broadcast_in_dim3A : i32 to vector<16xi32>
    %broadcast_in_dim3A_4 = arith.constant 1 : i32
    %broadcast_in_dim3A_5 = vector.broadcast %broadcast_in_dim3A_4 : i32 to vector<16xi32>
    %broadcast_in_dim3A_6 = arith.constant 2 : i32
    %broadcast_in_dim3A_7 = vector.broadcast %broadcast_in_dim3A_6 : i32 to vector<16xi32>
    %broadcast_in_dim3A_8 = arith.constant 3 : i32
    %broadcast_in_dim3A_9 = vector.broadcast %broadcast_in_dim3A_8 : i32 to vector<16xi32>
    %scan3A = arith.constant 0 : i32
    %scan3A_10 = arith.constant 20 : i32
    %scan3A_11 = arith.addi %scan3A, %scan3A_10 : i32
    %scan3A_12 = arith.constant 1 : i32
    scf.for %scan3A_23 = %scan3A to %scan3A_11 step %scan3A_12  : i32 {
      %mul3A_24 = arith.constant 16 : i32
      %mul3A_25 = arith.muli %scan3A_23, %mul3A_24 : i32
      %add3A_26 = vector.broadcast %mul3A_25 : i32 to vector<16xi32>
      %add3A_27 = arith.addi %iota3A, %add3A_26 : vector<16xi32>
      %mul3A_28 = arith.constant 16 : i32
      %mul3A_29 = arith.muli %scan3A_23, %mul3A_28 : i32
      %get3A = arith.index_cast %mul3A_29 : i32 to index
      %get3A_30 = tpu.vector_load %arg6[%get3A] {strides = array<i32>} : memref<320xi32, #tpu.memory_space<vmem>>, vector<16xi32>,
      %gather3A = tpu.vector_load_idx %arg8[%get3A_30, %broadcast_in_dim3A_9] : memref<512x8xf32, #tpu.memory_space<vmem>>[vector<16xi32>, vector<16xi32>], vector<16xf32>,
      %convert_element_type3A = arith.fptosi %gather3A : vector<16xf32> to vector<16xi32>
      %add3A_31 = vector.broadcast %mul3A_2 : i32 to vector<16xi32>
      %add3A_32 = arith.addi %add3A_31, %add3A_27 : vector<16xi32>
      %sub3A = arith.subi %add3A_32, %convert_element_type3A : vector<16xi32>
      %min3A = arith.constant 127 : i32
      %min3A_33 = vector.broadcast %min3A : i32 to vector<16xi32>
      %min3A_34 = arith.minsi %sub3A, %min3A_33 : vector<16xi32>
      %mul3A_35 = arith.constant 128 : i32
      %mul3A_36 = vector.broadcast %mul3A_35 : i32 to vector<16xi32>
      %mul3A_37 = arith.muli %get3A_30, %mul3A_36 : vector<16xi32>
      %add3A_38 = arith.addi %mul3A_37, %min3A_34 : vector<16xi32>
      %mul3A_39 = arith.constant 16 : i32
      %mul3A_40 = arith.muli %scan3A_23, %mul3A_39 : i32
      %swap3A = arith.index_cast %mul3A_40 : i32 to index
      %swap3A_41 = tpu.vector_load %arg7[%swap3A] {strides = array<i32>} : memref<320xi32, #tpu.memory_space<vmem>>, vector<16xi32>,
      tpu.vector_store %arg7[%swap3A], %add3A_38 {strides = array<i32>} : memref<320xi32, #tpu.memory_space<vmem>>, vector<16xi32>,
    }
    %scan3A_13 = arith.constant 20 : i32
    %dma_start3A = arith.constant 0 : i32
    %dma_start3A_14 = arith.constant 0 : i32
    %dma_start3A_15 = tpu.memref_slice %arg4[%dma_start3A, %dma_start3A_14] : memref<65536x8xf32, #tpu.memory_space<hbm>> -> memref<65536x8xf32, #tpu.memory_space<hbm>>
    tpu.enqueue_indirect_dma source(%dma_start3A_15 : memref<65536x8xf32, #tpu.memory_space<hbm>>) target(%arg9 : memref<320x8xf32, #tpu.memory_space<vmem>>) offsets(%arg7 : memref<320xi32, #tpu.memory_space<vmem>>) semaphore(%arg10 : memref<!tpu.dma_semaphore, #tpu.memory_space<semaphore_mem>>)
    %dma_wait3A = arith.constant 0 : i32
    %dma_wait3A_16 = arith.constant 0 : i32
    %dma_wait3A_17 = tpu.memref_slice %arg4[%dma_wait3A, %dma_wait3A_16] : memref<65536x8xf32, #tpu.memory_space<hbm>> -> memref<65536x8xf32, #tpu.memory_space<hbm>>
    tpu.wait_indirect_dma semaphore(%arg10 : memref<!tpu.dma_semaphore, #tpu.memory_space<semaphore_mem>>) src(%dma_wait3A_17 : memref<65536x8xf32, #tpu.memory_space<hbm>>) dst(%arg9 : memref<320x8xf32, #tpu.memory_space<vmem>>)
    %scan3A_18 = arith.constant 0 : i32
    %scan3A_19 = arith.constant 20 : i32
    %scan3A_20 = arith.addi %scan3A_18, %scan3A_19 : i32
    %scan3A_21 = arith.constant 1 : i32
    scf.for %scan3A_23 = %scan3A_18 to %scan3A_20 step %scan3A_21  : i32 {
      %mul3A_24 = arith.constant 16 : i32
      %mul3A_25 = arith.muli %scan3A_23, %mul3A_24 : i32
      %add3A_26 = vector.broadcast %mul3A_25 : i32 to vector<16xi32>
      %add3A_27 = arith.addi %iota3A, %add3A_26 : vector<16xi32>
      %mul3A_28 = arith.constant 16 : i32
      %mul3A_29 = arith.muli %scan3A_23, %mul3A_28 : i32
      %get3A = arith.index_cast %mul3A_29 : i32 to index
      %get3A_30 = tpu.vector_load %arg6[%get3A] {strides = array<i32>} : memref<320xi32, #tpu.memory_space<vmem>>, vector<16xi32>,
      %gather3A = tpu.vector_load_idx %arg8[%get3A_30, %broadcast_in_dim3A_3] : memref<512x8xf32, #tpu.memory_space<vmem>>[vector<16xi32>, vector<16xi32>], vector<16xf32>,
      %gather3A_31 = tpu.vector_load_idx %arg9[%add3A_27, %broadcast_in_dim3A_3] : memref<320x8xf32, #tpu.memory_space<vmem>>[vector<16xi32>, vector<16xi32>], vector<16xf32>,
      %add3A_32 = arith.addf %gather3A_31, %gather3A : vector<16xf32>
      tpu.vector_store_idx %arg9[%add3A_27, %broadcast_in_dim3A_3], %add3A_32 : memref<320x8xf32, #tpu.memory_space<vmem>>[vector<16xi32>, vector<16xi32>], vector<16xf32>,
      %gather3A_33 = tpu.vector_load_idx %arg8[%get3A_30, %broadcast_in_dim3A_5] : memref<512x8xf32, #tpu.memory_space<vmem>>[vector<16xi32>, vector<16xi32>], vector<16xf32>,
      %gather3A_34 = tpu.vector_load_idx %arg9[%add3A_27, %broadcast_in_dim3A_5] : memref<320x8xf32, #tpu.memory_space<vmem>>[vector<16xi32>, vector<16xi32>], vector<16xf32>,
      %add3A_35 = arith.addf %gather3A_34, %gather3A_33 : vector<16xf32>
      tpu.vector_store_idx %arg9[%add3A_27, %broadcast_in_dim3A_5], %add3A_35 : memref<320x8xf32, #tpu.memory_space<vmem>>[vector<16xi32>, vector<16xi32>], vector<16xf32>,
      %gather3A_36 = tpu.vector_load_idx %arg8[%get3A_30, %broadcast_in_dim3A_7] : memref<512x8xf32, #tpu.memory_space<vmem>>[vector<16xi32>, vector<16xi32>], vector<16xf32>,
      %gather3A_37 = tpu.vector_load_idx %arg9[%add3A_27, %broadcast_in_dim3A_7] : memref<320x8xf32, #tpu.memory_space<vmem>>[vector<16xi32>, vector<16xi32>], vector<16xf32>,
      %add3A_38 = arith.addf %gather3A_37, %gather3A_36 : vector<16xf32>
      tpu.vector_store_idx %arg9[%add3A_27, %broadcast_in_dim3A_7], %add3A_38 : memref<320x8xf32, #tpu.memory_space<vmem>>[vector<16xi32>, vector<16xi32>], vector<16xf32>,
    }
    %scan3A_22 = arith.constant 20 : i32
    "tpu.region"() ({
      %run_scoped3A = tpu.sem_alloc : memref<!tpu.dma_semaphore, #tpu.memory_space<semaphore_mem>>
      %dma_start3A_23 = arith.constant 0 : i32
      %dma_start3A_24 = tpu.memref_slice %arg5[%mul3A_2, %dma_start3A_23] : memref<10240x8xf32, #tpu.memory_space<hbm>> -> memref<320x8xf32, #tpu.memory_space<hbm>>
      %dma_start3A_25 = arith.constant 0 : i32
      %dma_start3A_26 = tpu.memref_slice %arg5[%mul3A_2, %dma_start3A_25] : memref<10240x8xf32, #tpu.memory_space<hbm>> -> memref<320x8xf32, #tpu.memory_space<hbm>>
      tpu.enqueue_dma source(%arg9 : memref<320x8xf32, #tpu.memory_space<vmem>>) target(%dma_start3A_26 : memref<320x8xf32, #tpu.memory_space<hbm>>) target_semaphore(%run_scoped3A : memref<!tpu.dma_semaphore, #tpu.memory_space<semaphore_mem>>)
      %dma_wait3A_27 = arith.constant 0 : i32
      %dma_wait3A_28 = tpu.memref_slice %arg5[%mul3A_2, %dma_wait3A_27] : memref<10240x8xf32, #tpu.memory_space<hbm>> -> memref<320x8xf32, #tpu.memory_space<hbm>>
      %dma_wait3A_29 = arith.constant 0 : i32
      %dma_wait3A_30 = tpu.memref_slice %arg5[%mul3A_2, %dma_wait3A_29] : memref<10240x8xf32, #tpu.memory_space<hbm>> -> memref<320x8xf32, #tpu.memory_space<hbm>>
      tpu.wait_dma2 semaphore(%run_scoped3A : memref<!tpu.dma_semaphore, #tpu.memory_space<semaphore_mem>>) src(%arg9 : memref<320x8xf32, #tpu.memory_space<vmem>>) dst(%dma_wait3A_30 : memref<320x8xf32, #tpu.memory_space<hbm>>)
      tpu.yield
    }) : () -> ()
    return
  }
}

module attributes {stable_mosaic.version = 14 : i64} {
  func.func @_atoms_body(%arg0: i32, %arg1: memref<2000x1xi32, #tpu.memory_space<vmem>>, %arg2: memref<2000x1xi32, #tpu.memory_space<vmem>>, %arg3: memref<128x128xf32, #tpu.memory_space<vmem>>, %arg4: memref<128x128xf32, #tpu.memory_space<vmem>>, %arg5: memref<512x128xf32, #tpu.memory_space<vmem>>, %arg6: memref<512x128xf32, #tpu.memory_space<vmem>>, %arg7: memref<128x128xf32, #tpu.memory_space<vmem>>) attributes {dimension_semantics = [#tpu.dimension_semantics<arbitrary>], iteration_bounds = array<i64: 5>, scalar_prefetch = 0 : i64, scratch_operands = 0 : i64, tpu.core_type = #tpu.core_type<tc>, window_params = [{transform_indices = @transform_0, window_bounds = array<i64: 2000, 1>}, {transform_indices = @transform_1, window_bounds = array<i64: 2000, 1>}, {pipeline_mode = #tpu.pipeline_mode<synchronous>, transform_indices = @transform_2, window_bounds = array<i64: 128, 128>}, {pipeline_mode = #tpu.pipeline_mode<synchronous>, transform_indices = @transform_3, window_bounds = array<i64: 128, 128>}, {pipeline_mode = #tpu.pipeline_mode<synchronous>, transform_indices = @transform_4, window_bounds = array<i64: 512, 128>}, {pipeline_mode = #tpu.pipeline_mode<synchronous>, transform_indices = @transform_5, window_bounds = array<i64: 512, 128>}, {pipeline_mode = #tpu.pipeline_mode<synchronous>, transform_indices = @transform_6, window_bounds = array<i64: 128, 128>}]} {
    %eq3A = arith.constant 0 : i32
    %eq3A_0 = arith.cmpi eq, %arg0, %eq3A : i32
    %convert_element_type3A = arith.extui %eq3A_0 : i1 to i32
    %cond3A = arith.constant 0 : i32
    %cond3A_1 = arith.cmpi ne, %convert_element_type3A, %cond3A : i32
    scf.if %cond3A_1 {
      %broadcast_in_dim3A_41 = arith.constant 0.000000e+00 : f32
      %broadcast_in_dim3A_42 = vector.broadcast %broadcast_in_dim3A_41 : f32 to vector<512x128xf32>
      %swap3A_43 = arith.constant 0 : index
      %swap3A_44 = arith.constant 0 : index
      %swap3A_45 = vector.load %arg5[%swap3A_43, %swap3A_44] : memref<512x128xf32, #tpu.memory_space<vmem>>, vector<512x128xf32>
      tpu.vector_store %arg5[%swap3A_43, %swap3A_44], %broadcast_in_dim3A_42 {strides = array<i32>} : memref<512x128xf32, #tpu.memory_space<vmem>>, vector<512x128xf32>,
      %broadcast_in_dim3A_46 = arith.constant 0.000000e+00 : f32
      %broadcast_in_dim3A_47 = vector.broadcast %broadcast_in_dim3A_46 : f32 to vector<512x128xf32>
      %swap3A_48 = arith.constant 0 : index
      %swap3A_49 = arith.constant 0 : index
      %swap3A_50 = vector.load %arg6[%swap3A_48, %swap3A_49] : memref<512x128xf32, #tpu.memory_space<vmem>>, vector<512x128xf32>
      tpu.vector_store %arg6[%swap3A_48, %swap3A_49], %broadcast_in_dim3A_47 {strides = array<i32>} : memref<512x128xf32, #tpu.memory_space<vmem>>, vector<512x128xf32>,
      %get3A_51 = arith.constant 0 : index
      %get3A_52 = arith.constant 0 : index
      %get3A_53 = vector.load %arg3[%get3A_51, %get3A_52] : memref<128x128xf32, #tpu.memory_space<vmem>>, vector<128x128xf32>
      %get3A_54 = arith.constant 0 : index
      %get3A_55 = arith.constant 0 : index
      %get3A_56 = vector.load %arg4[%get3A_54, %get3A_55] : memref<128x128xf32, #tpu.memory_space<vmem>>, vector<128x128xf32>
      %dot_general3A_57 = arith.constant dense<0.000000e+00> : vector<128x128xf32>
      %dot_general3A_58 = tpu.matmul %get3A_53, %get3A_56, %dot_general3A_57 {dimension_numbers = #tpu.dot_dimension_numbers<[1], [0], [0], [1], [0, 0, 1, 1], [], []>, transpose_lhs_hint = false} : vector<128x128xf32>, vector<128x128xf32>, vector<128x128xf32> -> vector<128x128xf32>
      %tanh3A = math.tanh %dot_general3A_58 : vector<128x128xf32>
      %swap3A_59 = arith.constant 0 : index
      %swap3A_60 = arith.constant 0 : index
      %swap3A_61 = vector.load %arg7[%swap3A_59, %swap3A_60] : memref<128x128xf32, #tpu.memory_space<vmem>>, vector<128x128xf32>
      tpu.vector_store %arg7[%swap3A_59, %swap3A_60], %tanh3A {strides = array<i32>} : memref<128x128xf32, #tpu.memory_space<vmem>>, vector<128x128xf32>,
    } else {
    }
    %get3A = arith.constant 0 : index
    %get3A_2 = arith.constant 0 : index
    %get3A_3 = vector.load %arg1[%get3A, %get3A_2] : memref<2000x1xi32, #tpu.memory_space<vmem>>, vector<2000x1xi32>
    %get3A_4 = arith.constant 0 : index
    %get3A_5 = arith.constant 0 : index
    %get3A_6 = vector.load %arg2[%get3A_4, %get3A_5] : memref<2000x1xi32, #tpu.memory_space<vmem>>, vector<2000x1xi32>
    %iota3A = tpu.iota {dimensions = array<i32: 1>} : vector<2000x128xi32>
    %eq3A_7 = vector.broadcast %get3A_3 : vector<2000x1xi32> to vector<2000x128xi32>
    %eq3A_8 = arith.cmpi eq, %eq3A_7, %iota3A : vector<2000x128xi32>
    %convert_element_type3A_9 = arith.extui %eq3A_8 : vector<2000x128xi1> to vector<2000x128xi32>
    %convert_element_type3A_10 = arith.sitofp %convert_element_type3A_9 : vector<2000x128xi32> to vector<2000x128xf32>
    %convert_element_type3A_11 = arith.truncf %convert_element_type3A_10 : vector<2000x128xf32> to vector<2000x128xbf16>
    %get3A_12 = arith.constant 0 : index
    %get3A_13 = arith.constant 0 : index
    %get3A_14 = vector.load %arg3[%get3A_12, %get3A_13] : memref<128x128xf32, #tpu.memory_space<vmem>>, vector<128x128xf32>
    %convert_element_type3A_15 = arith.truncf %get3A_14 : vector<128x128xf32> to vector<128x128xbf16>
    %dot_general3A = arith.constant dense<0.000000e+00> : vector<2000x128xf32>
    %dot_general3A_16 = tpu.matmul %convert_element_type3A_11, %convert_element_type3A_15, %dot_general3A {dimension_numbers = #tpu.dot_dimension_numbers<[1], [0], [0], [1], [0, 0, 1, 1], [], []>, transpose_lhs_hint = false} : vector<2000x128xbf16>, vector<128x128xbf16>, vector<2000x128xf32> -> vector<2000x128xf32>
    %iota3A_17 = tpu.iota {dimensions = array<i32: 1>} : vector<2000x512xi32>
    %eq3A_18 = vector.broadcast %get3A_6 : vector<2000x1xi32> to vector<2000x512xi32>
    %eq3A_19 = arith.cmpi eq, %eq3A_18, %iota3A_17 : vector<2000x512xi32>
    %convert_element_type3A_20 = arith.extui %eq3A_19 : vector<2000x512xi1> to vector<2000x512xi32>
    %convert_element_type3A_21 = arith.sitofp %convert_element_type3A_20 : vector<2000x512xi32> to vector<2000x512xf32>
    %convert_element_type3A_22 = arith.truncf %convert_element_type3A_21 : vector<2000x512xf32> to vector<2000x512xbf16>
    %get3A_23 = arith.constant 0 : index
    %get3A_24 = arith.constant 0 : index
    %get3A_25 = vector.load %arg5[%get3A_23, %get3A_24] : memref<512x128xf32, #tpu.memory_space<vmem>>, vector<512x128xf32>
    %convert_element_type3A_26 = arith.truncf %dot_general3A_16 : vector<2000x128xf32> to vector<2000x128xbf16>
    %dot_general3A_27 = arith.constant dense<0.000000e+00> : vector<512x128xf32>
    %dot_general3A_28 = tpu.matmul %convert_element_type3A_22, %convert_element_type3A_26, %dot_general3A_27 {dimension_numbers = #tpu.dot_dimension_numbers<[0], [0], [1], [1], [0, 1, 1, 1], [], []>, transpose_lhs_hint = false} : vector<2000x512xbf16>, vector<2000x128xbf16>, vector<512x128xf32> -> vector<512x128xf32>
    %add3A = arith.addf %get3A_25, %dot_general3A_28 : vector<512x128xf32>
    %swap3A = arith.constant 0 : index
    %swap3A_29 = arith.constant 0 : index
    %swap3A_30 = vector.load %arg5[%swap3A, %swap3A_29] : memref<512x128xf32, #tpu.memory_space<vmem>>, vector<512x128xf32>
    tpu.vector_store %arg5[%swap3A, %swap3A_29], %add3A {strides = array<i32>} : memref<512x128xf32, #tpu.memory_space<vmem>>, vector<512x128xf32>,
    %get3A_31 = arith.constant 0 : index
    %get3A_32 = arith.constant 0 : index
    %get3A_33 = vector.load %arg6[%get3A_31, %get3A_32] : memref<512x128xf32, #tpu.memory_space<vmem>>, vector<512x128xf32>
    %broadcast_in_dim3A = arith.constant 1.000000e+00 : bf16
    %broadcast_in_dim3A_34 = vector.broadcast %broadcast_in_dim3A : bf16 to vector<2000x128xbf16>
    %dot_general3A_35 = arith.constant dense<0.000000e+00> : vector<512x128xf32>
    %dot_general3A_36 = tpu.matmul %convert_element_type3A_22, %broadcast_in_dim3A_34, %dot_general3A_35 {dimension_numbers = #tpu.dot_dimension_numbers<[0], [0], [1], [1], [0, 1, 1, 1], [], []>, transpose_lhs_hint = false} : vector<2000x512xbf16>, vector<2000x128xbf16>, vector<512x128xf32> -> vector<512x128xf32>
    %add3A_37 = arith.addf %get3A_33, %dot_general3A_36 : vector<512x128xf32>
    %swap3A_38 = arith.constant 0 : index
    %swap3A_39 = arith.constant 0 : index
    %swap3A_40 = vector.load %arg6[%swap3A_38, %swap3A_39] : memref<512x128xf32, #tpu.memory_space<vmem>>, vector<512x128xf32>
    tpu.vector_store %arg6[%swap3A_38, %swap3A_39], %add3A_37 {strides = array<i32>} : memref<512x128xf32, #tpu.memory_space<vmem>>, vector<512x128xf32>,
    return
  }
  func.func @transform_0(%arg0: i32) -> (i32, i32) {
    %c0_i32 = arith.constant 0 : i32
    %c0_i32_0 = arith.constant 0 : i32
    return %arg0, %c0_i32 : i32, i32
  }
  func.func @transform_1(%arg0: i32) -> (i32, i32) {
    %c0_i32 = arith.constant 0 : i32
    %c0_i32_0 = arith.constant 0 : i32
    return %arg0, %c0_i32 : i32, i32
  }
  func.func @transform_2(%arg0: i32) -> (i32, i32) {
    %c0_i32 = arith.constant 0 : i32
    %c0_i32_0 = arith.constant 0 : i32
    %c0_i32_1 = arith.constant 0 : i32
    return %c0_i32, %c0_i32_0 : i32, i32
  }
  func.func @transform_3(%arg0: i32) -> (i32, i32) {
    %c0_i32 = arith.constant 0 : i32
    %c0_i32_0 = arith.constant 0 : i32
    %c0_i32_1 = arith.constant 0 : i32
    return %c0_i32, %c0_i32_0 : i32, i32
  }
  func.func @transform_4(%arg0: i32) -> (i32, i32) {
    %c0_i32 = arith.constant 0 : i32
    %c0_i32_0 = arith.constant 0 : i32
    %c0_i32_1 = arith.constant 0 : i32
    return %c0_i32, %c0_i32_0 : i32, i32
  }
  func.func @transform_5(%arg0: i32) -> (i32, i32) {
    %c0_i32 = arith.constant 0 : i32
    %c0_i32_0 = arith.constant 0 : i32
    %c0_i32_1 = arith.constant 0 : i32
    return %c0_i32, %c0_i32_0 : i32, i32
  }
  func.func @transform_6(%arg0: i32) -> (i32, i32) {
    %c0_i32 = arith.constant 0 : i32
    %c0_i32_0 = arith.constant 0 : i32
    %c0_i32_1 = arith.constant 0 : i32
    return %c0_i32, %c0_i32_0 : i32, i32
  }
}

module attributes {stable_mosaic.version = 14 : i64} {
  func.func @_edges_body(%arg0: i32, %arg1: memref<1x1x2048xf32, #tpu.memory_space<vmem>>, %arg2: memref<1x1x2048xi32, #tpu.memory_space<vmem>>, %arg3: memref<128x128xf32, #tpu.memory_space<vmem>>, %arg4: memref<16x128xf32, #tpu.memory_space<vmem>>, %arg5: memref<512x128xf32, #tpu.memory_space<vmem>>) attributes {dimension_semantics = [#tpu.dimension_semantics<arbitrary>], iteration_bounds = array<i64: 158>, scalar_prefetch = 0 : i64, scratch_operands = 0 : i64, tpu.core_type = #tpu.core_type<tc>, window_params = [{transform_indices = @transform_0, window_bounds = array<i64: 1, 1, 2048>}, {transform_indices = @transform_1, window_bounds = array<i64: 1, 1, 2048>}, {pipeline_mode = #tpu.pipeline_mode<synchronous>, transform_indices = @transform_2, window_bounds = array<i64: 128, 128>}, {pipeline_mode = #tpu.pipeline_mode<synchronous>, transform_indices = @transform_3, window_bounds = array<i64: 16, 128>}, {pipeline_mode = #tpu.pipeline_mode<synchronous>, transform_indices = @transform_4, window_bounds = array<i64: 512, 128>}]} {
    %eq3A = arith.constant 0 : i32
    %eq3A_0 = arith.cmpi eq, %arg0, %eq3A : i32
    %convert_element_type3A = arith.extui %eq3A_0 : i1 to i32
    %cond3A = arith.constant 0 : i32
    %cond3A_1 = arith.cmpi ne, %convert_element_type3A, %cond3A : i32
    scf.if %cond3A_1 {
      %broadcast_in_dim3A_62 = arith.constant 0.000000e+00 : f32
      %broadcast_in_dim3A_63 = vector.broadcast %broadcast_in_dim3A_62 : f32 to vector<512x128xf32>
      %swap3A_64 = arith.constant 0 : index
      %swap3A_65 = arith.constant 0 : index
      %swap3A_66 = vector.load %arg5[%swap3A_64, %swap3A_65] : memref<512x128xf32, #tpu.memory_space<vmem>>, vector<512x128xf32>
      tpu.vector_store %arg5[%swap3A_64, %swap3A_65], %broadcast_in_dim3A_63 {strides = array<i32>} : memref<512x128xf32, #tpu.memory_space<vmem>>, vector<512x128xf32>,
    } else {
    }
    %get3A = arith.constant 0 : index
    %get3A_2 = arith.constant 0 : index
    %get3A_3 = arith.constant 0 : index
    %get3A_4 = vector.load %arg1[%get3A, %get3A_2, %get3A_3] : memref<1x1x2048xf32, #tpu.memory_space<vmem>>, vector<1x1x2048xf32>
    %reshape3A = vector.shape_cast %get3A_4 : vector<1x1x2048xf32> to vector<1x2048xf32>
    %get3A_5 = arith.constant 0 : index
    %get3A_6 = arith.constant 0 : index
    %get3A_7 = arith.constant 0 : index
    %get3A_8 = vector.load %arg2[%get3A_5, %get3A_6, %get3A_7] : memref<1x1x2048xi32, #tpu.memory_space<vmem>>, vector<1x1x2048xi32>
    %reshape3A_9 = vector.shape_cast %get3A_8 : vector<1x1x2048xi32> to vector<1x2048xi32>
    %mul3A = arith.constant 2048 : i32
    %mul3A_10 = arith.muli %arg0, %mul3A : i32
    %iota3A = tpu.iota {dimensions = array<i32: 1>} : vector<1x2048xi32>
    %add3A = vector.broadcast %mul3A_10 : i32 to vector<1x2048xi32>
    %add3A_11 = arith.addi %add3A, %iota3A : vector<1x2048xi32>
    %lt3A = arith.constant 320000 : i32
    %lt3A_12 = vector.broadcast %lt3A : i32 to vector<1x2048xi32>
    %lt3A_13 = arith.cmpi slt, %add3A_11, %lt3A_12 : vector<1x2048xi32>
    %and3A = arith.constant 1023 : i32
    %and3A_14 = vector.broadcast %and3A : i32 to vector<1x2048xi32>
    %and3A_15 = arith.andi %reshape3A_9, %and3A_14 : vector<1x2048xi32>
    %jit3A = arith.constant 1023 : i32
    %broadcast_in_dim3A = vector.broadcast %jit3A : i32 to vector<1x2048xi32>
    %select_n3A = arith.select %lt3A_13, %and3A_15, %broadcast_in_dim3A : vector<1x2048xi1>, vector<1x2048xi32>
    %shift_right_logical3A = arith.constant 10 : i32
    %shift_right_logical3A_16 = vector.broadcast %shift_right_logical3A : i32 to vector<1x2048xi32>
    %shift_right_logical3A_17 = arith.shrui %reshape3A_9, %shift_right_logical3A_16 : vector<1x2048xi32>
    %iota3A_18 = tpu.iota {dimensions = array<i32: 0>} : vector<16x1xi32>
    %convert_element_type3A_19 = arith.sitofp %iota3A_18 : vector<16x1xi32> to vector<16x1xf32>
    %mul3A_20 = arith.constant 1.200000e-01 : f32
    %mul3A_21 = vector.broadcast %mul3A_20 : f32 to vector<16x1xf32>
    %mul3A_22 = arith.mulf %convert_element_type3A_19, %mul3A_21 : vector<16x1xf32>
    %sub3A = vector.broadcast %reshape3A : vector<1x2048xf32> to vector<16x2048xf32>
    %sub3A_23 = vector.broadcast %mul3A_22 : vector<16x1xf32> to vector<16x2048xf32>
    %sub3A_24 = arith.subf %sub3A, %sub3A_23 : vector<16x2048xf32>
    %integer_pow3A = arith.mulf %sub3A_24, %sub3A_24 : vector<16x2048xf32>
    %mul3A_25 = arith.constant -1.000000e+01 : f32
    %mul3A_26 = vector.broadcast %mul3A_25 : f32 to vector<16x2048xf32>
    %mul3A_27 = arith.mulf %mul3A_26, %integer_pow3A : vector<16x2048xf32>
    %exp3A = math.exp %mul3A_27 : vector<16x2048xf32>
    %get3A_28 = arith.constant 0 : index
    %get3A_29 = arith.constant 0 : index
    %get3A_30 = vector.load %arg4[%get3A_28, %get3A_29] : memref<16x128xf32, #tpu.memory_space<vmem>>, vector<16x128xf32>
    %convert_element_type3A_31 = arith.truncf %exp3A : vector<16x2048xf32> to vector<16x2048xbf16>
    %convert_element_type3A_32 = arith.truncf %get3A_30 : vector<16x128xf32> to vector<16x128xbf16>
    %dot_general3A = arith.constant dense<0.000000e+00> : vector<2048x128xf32>
    %dot_general3A_33 = tpu.matmul %convert_element_type3A_31, %convert_element_type3A_32, %dot_general3A {dimension_numbers = #tpu.dot_dimension_numbers<[0], [0], [1], [1], [0, 1, 1, 1], [], []>, transpose_lhs_hint = false} : vector<16x2048xbf16>, vector<16x128xbf16>, vector<2048x128xf32> -> vector<2048x128xf32>
    %iota3A_34 = tpu.iota {dimensions = array<i32: 0>} : vector<128x2048xi32>
    %eq3A_35 = vector.broadcast %shift_right_logical3A_17 : vector<1x2048xi32> to vector<128x2048xi32>
    %eq3A_36 = arith.cmpi eq, %iota3A_34, %eq3A_35 : vector<128x2048xi32>
    %convert_element_type3A_37 = arith.extui %eq3A_36 : vector<128x2048xi1> to vector<128x2048xi32>
    %convert_element_type3A_38 = arith.sitofp %convert_element_type3A_37 : vector<128x2048xi32> to vector<128x2048xf32>
    %convert_element_type3A_39 = arith.truncf %convert_element_type3A_38 : vector<128x2048xf32> to vector<128x2048xbf16>
    %get3A_40 = arith.constant 0 : index
    %get3A_41 = arith.constant 0 : index
    %get3A_42 = vector.load %arg3[%get3A_40, %get3A_41] : memref<128x128xf32, #tpu.memory_space<vmem>>, vector<128x128xf32>
    %convert_element_type3A_43 = arith.truncf %get3A_42 : vector<128x128xf32> to vector<128x128xbf16>
    %dot_general3A_44 = arith.constant dense<0.000000e+00> : vector<2048x128xf32>
    %dot_general3A_45 = tpu.matmul %convert_element_type3A_39, %convert_element_type3A_43, %dot_general3A_44 {dimension_numbers = #tpu.dot_dimension_numbers<[0], [0], [1], [1], [0, 1, 1, 1], [], []>, transpose_lhs_hint = false} : vector<128x2048xbf16>, vector<128x128xbf16>, vector<2048x128xf32> -> vector<2048x128xf32>
    %mul3A_46 = arith.mulf %dot_general3A_45, %dot_general3A_33 : vector<2048x128xf32>
    %convert_element_type3A_47 = arith.truncf %mul3A_46 : vector<2048x128xf32> to vector<2048x128xbf16>
    %iota3A_48 = tpu.iota {dimensions = array<i32: 0>} : vector<512x2048xi32>
    %eq3A_49 = vector.broadcast %select_n3A : vector<1x2048xi32> to vector<512x2048xi32>
    %eq3A_50 = arith.cmpi eq, %iota3A_48, %eq3A_49 : vector<512x2048xi32>
    %convert_element_type3A_51 = arith.extui %eq3A_50 : vector<512x2048xi1> to vector<512x2048xi32>
    %convert_element_type3A_52 = arith.sitofp %convert_element_type3A_51 : vector<512x2048xi32> to vector<512x2048xf32>
    %convert_element_type3A_53 = arith.truncf %convert_element_type3A_52 : vector<512x2048xf32> to vector<512x2048xbf16>
    %get3A_54 = arith.constant 0 : index
    %get3A_55 = arith.constant 0 : index
    %get3A_56 = vector.load %arg5[%get3A_54, %get3A_55] : memref<512x128xf32, #tpu.memory_space<vmem>>, vector<512x128xf32>
    %dot_general3A_57 = arith.constant dense<0.000000e+00> : vector<512x128xf32>
    %dot_general3A_58 = tpu.matmul %convert_element_type3A_53, %convert_element_type3A_47, %dot_general3A_57 {dimension_numbers = #tpu.dot_dimension_numbers<[1], [0], [0], [1], [0, 0, 1, 1], [], []>, transpose_lhs_hint = false} : vector<512x2048xbf16>, vector<2048x128xbf16>, vector<512x128xf32> -> vector<512x128xf32>
    %add3A_59 = arith.addf %get3A_56, %dot_general3A_58 : vector<512x128xf32>
    %swap3A = arith.constant 0 : index
    %swap3A_60 = arith.constant 0 : index
    %swap3A_61 = vector.load %arg5[%swap3A, %swap3A_60] : memref<512x128xf32, #tpu.memory_space<vmem>>, vector<512x128xf32>
    tpu.vector_store %arg5[%swap3A, %swap3A_60], %add3A_59 {strides = array<i32>} : memref<512x128xf32, #tpu.memory_space<vmem>>, vector<512x128xf32>,
    return
  }
  func.func @transform_0(%arg0: i32) -> (i32, i32, i32) {
    %c0_i32 = arith.constant 0 : i32
    %c0_i32_0 = arith.constant 0 : i32
    %c0_i32_1 = arith.constant 0 : i32
    return %arg0, %c0_i32, %c0_i32_0 : i32, i32, i32
  }
  func.func @transform_1(%arg0: i32) -> (i32, i32, i32) {
    %c0_i32 = arith.constant 0 : i32
    %c0_i32_0 = arith.constant 0 : i32
    %c0_i32_1 = arith.constant 0 : i32
    return %arg0, %c0_i32, %c0_i32_0 : i32, i32, i32
  }
  func.func @transform_2(%arg0: i32) -> (i32, i32) {
    %c0_i32 = arith.constant 0 : i32
    %c0_i32_0 = arith.constant 0 : i32
    %c0_i32_1 = arith.constant 0 : i32
    return %c0_i32, %c0_i32_0 : i32, i32
  }
  func.func @transform_3(%arg0: i32) -> (i32, i32) {
    %c0_i32 = arith.constant 0 : i32
    %c0_i32_0 = arith.constant 0 : i32
    %c0_i32_1 = arith.constant 0 : i32
    return %c0_i32, %c0_i32_0 : i32, i32
  }
  func.func @transform_4(%arg0: i32) -> (i32, i32) {
    %c0_i32 = arith.constant 0 : i32
    %c0_i32_0 = arith.constant 0 : i32
    %c0_i32_1 = arith.constant 0 : i32
    return %c0_i32, %c0_i32_0 : i32, i32
  }
}

module attributes {stable_mosaic.version = 14 : i64} {
  func.func @_fuse_body(%arg0: memref<512x128xf32, #tpu.memory_space<vmem>>, %arg1: memref<512x128xf32, #tpu.memory_space<vmem>>, %arg2: memref<512x128xf32, #tpu.memory_space<vmem>>, %arg3: memref<128x128xf32, #tpu.memory_space<vmem>>, %arg4: memref<1x128xf32, #tpu.memory_space<vmem>>, %arg5: memref<128x128xf32, #tpu.memory_space<vmem>>, %arg6: memref<1x128xf32, #tpu.memory_space<vmem>>, %arg7: memref<128x128xf32, #tpu.memory_space<vmem>>, %arg8: memref<1x128xf32, #tpu.memory_space<vmem>>, %arg9: memref<128x128xf32, #tpu.memory_space<vmem>>, %arg10: memref<1x128xf32, #tpu.memory_space<vmem>>, %arg11: memref<128x128xf32, #tpu.memory_space<vmem>>, %arg12: memref<128x128xf32, #tpu.memory_space<vmem>>, %arg13: memref<512x1xi32, #tpu.memory_space<vmem>>, %arg14: memref<512x128xf32, #tpu.memory_space<vmem>>, %arg15: memref<512x128xf32, #tpu.memory_space<vmem>>, %arg16: memref<512x128xf32, #tpu.memory_space<vmem>>, %arg17: memref<512x128xf32, #tpu.memory_space<vmem>>) attributes {dimension_semantics = [], scalar_prefetch = 0 : i64, scratch_operands = 0 : i64, tpu.core_type = #tpu.core_type<tc>} {
    %get3A = arith.constant 0 : index
    %get3A_0 = arith.constant 0 : index
    %get3A_1 = vector.load %arg2[%get3A, %get3A_0] : memref<512x128xf32, #tpu.memory_space<vmem>>, vector<512x128xf32>
    %get3A_2 = arith.constant 0 : index
    %get3A_3 = arith.constant 0 : index
    %get3A_4 = vector.load %arg0[%get3A_2, %get3A_3] : memref<512x128xf32, #tpu.memory_space<vmem>>, vector<512x128xf32>
    %get3A_5 = arith.constant 0 : index
    %get3A_6 = arith.constant 0 : index
    %get3A_7 = vector.load %arg1[%get3A_5, %get3A_6] : memref<512x128xf32, #tpu.memory_space<vmem>>, vector<512x128xf32>
    %add3A = arith.addf %get3A_4, %get3A_7 : vector<512x128xf32>
    %max3A = arith.constant 1.000000e+00 : f32
    %max3A_8 = vector.broadcast %max3A : f32 to vector<512x128xf32>
    %max3A_9 = arith.maximumf %get3A_1, %max3A_8 : vector<512x128xf32>
    %div3A = arith.divf %add3A, %max3A_9 : vector<512x128xf32>
    %get3A_10 = arith.constant 0 : index
    %get3A_11 = arith.constant 0 : index
    %get3A_12 = vector.load %arg3[%get3A_10, %get3A_11] : memref<128x128xf32, #tpu.memory_space<vmem>>, vector<128x128xf32>
    %dot_general3A = arith.constant dense<0.000000e+00> : vector<512x128xf32>
    %dot_general3A_13 = tpu.matmul %div3A, %get3A_12, %dot_general3A {dimension_numbers = #tpu.dot_dimension_numbers<[1], [0], [0], [1], [0, 0, 1, 1], [], []>, transpose_lhs_hint = false} : vector<512x128xf32>, vector<128x128xf32>, vector<512x128xf32> -> vector<512x128xf32>
    %get3A_14 = arith.constant 0 : index
    %get3A_15 = arith.constant 0 : index
    %get3A_16 = vector.load %arg4[%get3A_14, %get3A_15] : memref<1x128xf32, #tpu.memory_space<vmem>>, vector<1x128xf32>
    %add3A_17 = vector.broadcast %get3A_16 : vector<1x128xf32> to vector<512x128xf32>
    %add3A_18 = arith.addf %dot_general3A_13, %add3A_17 : vector<512x128xf32>
    %tanh3A = math.tanh %add3A_18 : vector<512x128xf32>
    %get3A_19 = arith.constant 0 : index
    %get3A_20 = arith.constant 0 : index
    %get3A_21 = vector.load %arg5[%get3A_19, %get3A_20] : memref<128x128xf32, #tpu.memory_space<vmem>>, vector<128x128xf32>
    %dot_general3A_22 = arith.constant dense<0.000000e+00> : vector<512x128xf32>
    %dot_general3A_23 = tpu.matmul %tanh3A, %get3A_21, %dot_general3A_22 {dimension_numbers = #tpu.dot_dimension_numbers<[1], [0], [0], [1], [0, 0, 1, 1], [], []>, transpose_lhs_hint = false} : vector<512x128xf32>, vector<128x128xf32>, vector<512x128xf32> -> vector<512x128xf32>
    %get3A_24 = arith.constant 0 : index
    %get3A_25 = arith.constant 0 : index
    %get3A_26 = vector.load %arg6[%get3A_24, %get3A_25] : memref<1x128xf32, #tpu.memory_space<vmem>>, vector<1x128xf32>
    %add3A_27 = vector.broadcast %get3A_26 : vector<1x128xf32> to vector<512x128xf32>
    %add3A_28 = arith.addf %dot_general3A_23, %add3A_27 : vector<512x128xf32>
    %swap3A = arith.constant 0 : index
    %swap3A_29 = arith.constant 0 : index
    %swap3A_30 = vector.load %arg14[%swap3A, %swap3A_29] : memref<512x128xf32, #tpu.memory_space<vmem>>, vector<512x128xf32>
    tpu.vector_store %arg14[%swap3A, %swap3A_29], %add3A_28 {strides = array<i32>} : memref<512x128xf32, #tpu.memory_space<vmem>>, vector<512x128xf32>,
    %get3A_31 = arith.constant 0 : index
    %get3A_32 = arith.constant 0 : index
    %get3A_33 = vector.load %arg7[%get3A_31, %get3A_32] : memref<128x128xf32, #tpu.memory_space<vmem>>, vector<128x128xf32>
    %dot_general3A_34 = arith.constant dense<0.000000e+00> : vector<512x128xf32>
    %dot_general3A_35 = tpu.matmul %div3A, %get3A_33, %dot_general3A_34 {dimension_numbers = #tpu.dot_dimension_numbers<[1], [0], [0], [1], [0, 0, 1, 1], [], []>, transpose_lhs_hint = false} : vector<512x128xf32>, vector<128x128xf32>, vector<512x128xf32> -> vector<512x128xf32>
    %get3A_36 = arith.constant 0 : index
    %get3A_37 = arith.constant 0 : index
    %get3A_38 = vector.load %arg8[%get3A_36, %get3A_37] : memref<1x128xf32, #tpu.memory_space<vmem>>, vector<1x128xf32>
    %add3A_39 = vector.broadcast %get3A_38 : vector<1x128xf32> to vector<512x128xf32>
    %add3A_40 = arith.addf %dot_general3A_35, %add3A_39 : vector<512x128xf32>
    %tanh3A_41 = math.tanh %add3A_40 : vector<512x128xf32>
    %get3A_42 = arith.constant 0 : index
    %get3A_43 = arith.constant 0 : index
    %get3A_44 = vector.load %arg9[%get3A_42, %get3A_43] : memref<128x128xf32, #tpu.memory_space<vmem>>, vector<128x128xf32>
    %dot_general3A_45 = arith.constant dense<0.000000e+00> : vector<512x128xf32>
    %dot_general3A_46 = tpu.matmul %tanh3A_41, %get3A_44, %dot_general3A_45 {dimension_numbers = #tpu.dot_dimension_numbers<[1], [0], [0], [1], [0, 0, 1, 1], [], []>, transpose_lhs_hint = false} : vector<512x128xf32>, vector<128x128xf32>, vector<512x128xf32> -> vector<512x128xf32>
    %get3A_47 = arith.constant 0 : index
    %get3A_48 = arith.constant 0 : index
    %get3A_49 = vector.load %arg10[%get3A_47, %get3A_48] : memref<1x128xf32, #tpu.memory_space<vmem>>, vector<1x128xf32>
    %add3A_50 = vector.broadcast %get3A_49 : vector<1x128xf32> to vector<512x128xf32>
    %add3A_51 = arith.addf %dot_general3A_46, %add3A_50 : vector<512x128xf32>
    %mul3A = arith.constant 5.000000e-01 : f32
    %mul3A_52 = vector.broadcast %mul3A : f32 to vector<512x128xf32>
    %mul3A_53 = arith.mulf %add3A_51, %mul3A_52 : vector<512x128xf32>
    %exp3A = math.exp %mul3A_53 : vector<512x128xf32>
    %add3A_54 = arith.constant 9.99999996E-13 : f32
    %add3A_55 = vector.broadcast %add3A_54 : f32 to vector<512x128xf32>
    %add3A_56 = arith.addf %add3A_55, %exp3A : vector<512x128xf32>
    %swap3A_57 = arith.constant 0 : index
    %swap3A_58 = arith.constant 0 : index
    %swap3A_59 = vector.load %arg15[%swap3A_57, %swap3A_58] : memref<512x128xf32, #tpu.memory_space<vmem>>, vector<512x128xf32>
    tpu.vector_store %arg15[%swap3A_57, %swap3A_58], %add3A_56 {strides = array<i32>} : memref<512x128xf32, #tpu.memory_space<vmem>>, vector<512x128xf32>,
    %get3A_60 = arith.constant 0 : index
    %get3A_61 = arith.constant 0 : index
    %get3A_62 = vector.load %arg13[%get3A_60, %get3A_61] : memref<512x1xi32, #tpu.memory_space<vmem>>, vector<512x1xi32>
    %iota3A = tpu.iota {dimensions = array<i32: 1>} : vector<512x128xi32>
    %eq3A = vector.broadcast %get3A_62 : vector<512x1xi32> to vector<512x128xi32>
    %eq3A_63 = arith.cmpi eq, %eq3A, %iota3A : vector<512x128xi32>
    %convert_element_type3A = arith.extui %eq3A_63 : vector<512x128xi1> to vector<512x128xi32>
    %convert_element_type3A_64 = arith.sitofp %convert_element_type3A : vector<512x128xi32> to vector<512x128xf32>
    %get3A_65 = arith.constant 0 : index
    %get3A_66 = arith.constant 0 : index
    %get3A_67 = vector.load %arg11[%get3A_65, %get3A_66] : memref<128x128xf32, #tpu.memory_space<vmem>>, vector<128x128xf32>
    %dot_general3A_68 = arith.constant dense<0.000000e+00> : vector<512x128xf32>
    %dot_general3A_69 = tpu.matmul %div3A, %get3A_67, %dot_general3A_68 {dimension_numbers = #tpu.dot_dimension_numbers<[1], [0], [0], [1], [0, 0, 1, 1], [], []>, transpose_lhs_hint = false} : vector<512x128xf32>, vector<128x128xf32>, vector<512x128xf32> -> vector<512x128xf32>
    %get3A_70 = arith.constant 0 : index
    %get3A_71 = arith.constant 0 : index
    %get3A_72 = vector.load %arg12[%get3A_70, %get3A_71] : memref<128x128xf32, #tpu.memory_space<vmem>>, vector<128x128xf32>
    %dot_general3A_73 = arith.constant dense<0.000000e+00> : vector<512x128xf32>
    %dot_general3A_74 = tpu.matmul %convert_element_type3A_64, %get3A_72, %dot_general3A_73 {dimension_numbers = #tpu.dot_dimension_numbers<[1], [0], [0], [1], [0, 0, 1, 1], [], []>, transpose_lhs_hint = false} : vector<512x128xf32>, vector<128x128xf32>, vector<512x128xf32> -> vector<512x128xf32>
    %add3A_75 = arith.addf %dot_general3A_69, %dot_general3A_74 : vector<512x128xf32>
    %swap3A_76 = arith.constant 0 : index
    %swap3A_77 = arith.constant 0 : index
    %swap3A_78 = vector.load %arg16[%swap3A_76, %swap3A_77] : memref<512x128xf32, #tpu.memory_space<vmem>>, vector<512x128xf32>
    tpu.vector_store %arg16[%swap3A_76, %swap3A_77], %add3A_75 {strides = array<i32>} : memref<512x128xf32, #tpu.memory_space<vmem>>, vector<512x128xf32>,
    %iota3A_79 = tpu.iota {dimensions = array<i32: 0>} : vector<512x512xi32>
    %iota3A_80 = tpu.iota {dimensions = array<i32: 1>} : vector<512x512xi32>
    %gt3A = arith.cmpi sgt, %iota3A_79, %iota3A_80 : vector<512x512xi32>
    %convert_element_type3A_81 = arith.extui %gt3A : vector<512x512xi1> to vector<512x512xi32>
    %convert_element_type3A_82 = arith.sitofp %convert_element_type3A_81 : vector<512x512xi32> to vector<512x512xf32>
    %dot_general3A_83 = arith.constant dense<0.000000e+00> : vector<512x128xf32>
    %dot_general3A_84 = tpu.matmul %convert_element_type3A_82, %get3A_1, %dot_general3A_83 {dimension_numbers = #tpu.dot_dimension_numbers<[1], [0], [0], [1], [0, 0, 1, 1], [], []>, transpose_lhs_hint = false} : vector<512x512xf32>, vector<512x128xf32>, vector<512x128xf32> -> vector<512x128xf32>
    %swap3A_85 = arith.constant 0 : index
    %swap3A_86 = arith.constant 0 : index
    %swap3A_87 = vector.load %arg17[%swap3A_85, %swap3A_86] : memref<512x128xf32, #tpu.memory_space<vmem>>, vector<512x128xf32>
    tpu.vector_store %arg17[%swap3A_85, %swap3A_86], %dot_general3A_84 {strides = array<i32>} : memref<512x128xf32, #tpu.memory_space<vmem>>, vector<512x128xf32>,
    return
  }
}

module attributes {stable_mosaic.version = 14 : i64} {
  func.func @_cg_body(%arg0: i32, %arg1: memref<2000x1xi32, #tpu.memory_space<vmem>>, %arg2: memref<2000x1xi32, #tpu.memory_space<vmem>>, %arg3: memref<512x128xf32, #tpu.memory_space<vmem>>, %arg4: memref<512x128xf32, #tpu.memory_space<vmem>>, %arg5: memref<16x128xf32, #tpu.memory_space<vmem>>, %arg6: memref<128x128xf32, #tpu.memory_space<vmem>>, %arg7: memref<512x128xf32, #tpu.memory_space<vmem>>, %arg8: memref<512x128xf32, #tpu.memory_space<vmem>>, %arg9: memref<512x128xf32, #tpu.memory_space<vmem>>, %arg10: memref<512x128xf32, #tpu.memory_space<vmem>>, %arg11: memref<512x128xf32, #tpu.memory_space<vmem>>, %arg12: memref<512x4xf32, #tpu.memory_space<vmem>>) attributes {dimension_semantics = [#tpu.dimension_semantics<arbitrary>], iteration_bounds = array<i64: 8>, scalar_prefetch = 0 : i64, scratch_operands = 0 : i64, tpu.core_type = #tpu.core_type<tc>, window_params = [{transform_indices = @transform_0, window_bounds = array<i64: 2000, 1>}, {transform_indices = @transform_1, window_bounds = array<i64: 2000, 1>}, {pipeline_mode = #tpu.pipeline_mode<synchronous>, transform_indices = @transform_2, window_bounds = array<i64: 512, 128>}, {pipeline_mode = #tpu.pipeline_mode<synchronous>, transform_indices = @transform_3, window_bounds = array<i64: 512, 128>}, {pipeline_mode = #tpu.pipeline_mode<synchronous>, transform_indices = @transform_4, window_bounds = array<i64: 16, 128>}, {pipeline_mode = #tpu.pipeline_mode<synchronous>, transform_indices = @transform_5, window_bounds = array<i64: 128, 128>}, {pipeline_mode = #tpu.pipeline_mode<synchronous>, transform_indices = @transform_6, window_bounds = array<i64: 512, 128>}, {pipeline_mode = #tpu.pipeline_mode<synchronous>, transform_indices = @transform_7, window_bounds = array<i64: 512, 128>}, {pipeline_mode = #tpu.pipeline_mode<synchronous>, transform_indices = @transform_8, window_bounds = array<i64: 512, 128>}, {pipeline_mode = #tpu.pipeline_mode<synchronous>, transform_indices = @transform_9, window_bounds = array<i64: 512, 128>}, {pipeline_mode = #tpu.pipeline_mode<synchronous>, transform_indices = @transform_10, window_bounds = array<i64: 512, 128>}, {pipeline_mode = #tpu.pipeline_mode<synchronous>, transform_indices = @transform_11, window_bounds = array<i64: 512, 4>}]} {
    %eq3A = arith.constant 0 : i32
    %eq3A_0 = arith.cmpi eq, %arg0, %eq3A : i32
    %convert_element_type3A = arith.extui %eq3A_0 : i1 to i32
    %cond3A = arith.constant 0 : i32
    %cond3A_1 = arith.cmpi ne, %convert_element_type3A, %cond3A : i32
    scf.if %cond3A_1 {
      %broadcast_in_dim3A_98 = arith.constant 0.000000e+00 : f32
      %broadcast_in_dim3A_99 = vector.broadcast %broadcast_in_dim3A_98 : f32 to vector<512x128xf32>
      %swap3A_100 = arith.constant 0 : index
      %swap3A_101 = arith.constant 0 : index
      %swap3A_102 = vector.load %arg9[%swap3A_100, %swap3A_101] : memref<512x128xf32, #tpu.memory_space<vmem>>, vector<512x128xf32>
      tpu.vector_store %arg9[%swap3A_100, %swap3A_101], %broadcast_in_dim3A_99 {strides = array<i32>} : memref<512x128xf32, #tpu.memory_space<vmem>>, vector<512x128xf32>,
      %broadcast_in_dim3A_103 = arith.constant 0.000000e+00 : f32
      %broadcast_in_dim3A_104 = vector.broadcast %broadcast_in_dim3A_103 : f32 to vector<512x128xf32>
      %swap3A_105 = arith.constant 0 : index
      %swap3A_106 = arith.constant 0 : index
      %swap3A_107 = vector.load %arg10[%swap3A_105, %swap3A_106] : memref<512x128xf32, #tpu.memory_space<vmem>>, vector<512x128xf32>
      tpu.vector_store %arg10[%swap3A_105, %swap3A_106], %broadcast_in_dim3A_104 {strides = array<i32>} : memref<512x128xf32, #tpu.memory_space<vmem>>, vector<512x128xf32>,
      %broadcast_in_dim3A_108 = arith.constant 0.000000e+00 : f32
      %broadcast_in_dim3A_109 = vector.broadcast %broadcast_in_dim3A_108 : f32 to vector<512x128xf32>
      %swap3A_110 = arith.constant 0 : index
      %swap3A_111 = arith.constant 0 : index
      %swap3A_112 = vector.load %arg11[%swap3A_110, %swap3A_111] : memref<512x128xf32, #tpu.memory_space<vmem>>, vector<512x128xf32>
      tpu.vector_store %arg11[%swap3A_110, %swap3A_111], %broadcast_in_dim3A_109 {strides = array<i32>} : memref<512x128xf32, #tpu.memory_space<vmem>>, vector<512x128xf32>,
    } else {
    }
    %get3A = arith.constant 0 : index
    %get3A_2 = arith.constant 0 : index
    %get3A_3 = vector.load %arg1[%get3A, %get3A_2] : memref<2000x1xi32, #tpu.memory_space<vmem>>, vector<2000x1xi32>
    %get3A_4 = arith.constant 0 : index
    %get3A_5 = arith.constant 0 : index
    %get3A_6 = vector.load %arg2[%get3A_4, %get3A_5] : memref<2000x1xi32, #tpu.memory_space<vmem>>, vector<2000x1xi32>
    %iota3A = tpu.iota {dimensions = array<i32: 1>} : vector<2000x512xi32>
    %eq3A_7 = vector.broadcast %get3A_3 : vector<2000x1xi32> to vector<2000x512xi32>
    %eq3A_8 = arith.cmpi eq, %eq3A_7, %iota3A : vector<2000x512xi32>
    %convert_element_type3A_9 = arith.extui %eq3A_8 : vector<2000x512xi1> to vector<2000x512xi32>
    %convert_element_type3A_10 = arith.sitofp %convert_element_type3A_9 : vector<2000x512xi32> to vector<2000x512xf32>
    %iota3A_11 = tpu.iota {dimensions = array<i32: 1>} : vector<2000x512xi32>
    %eq3A_12 = vector.broadcast %get3A_6 : vector<2000x1xi32> to vector<2000x512xi32>
    %eq3A_13 = arith.cmpi eq, %eq3A_12, %iota3A_11 : vector<2000x512xi32>
    %convert_element_type3A_14 = arith.extui %eq3A_13 : vector<2000x512xi1> to vector<2000x512xi32>
    %convert_element_type3A_15 = arith.sitofp %convert_element_type3A_14 : vector<2000x512xi32> to vector<2000x512xf32>
    %sub3A = arith.subf %convert_element_type3A_15, %convert_element_type3A_10 : vector<2000x512xf32>
    %get3A_16 = arith.constant 0 : index
    %get3A_17 = arith.constant 0 : index
    %get3A_18 = vector.load %arg4[%get3A_16, %get3A_17] : memref<512x128xf32, #tpu.memory_space<vmem>>, vector<512x128xf32>
    %dot_general3A = arith.constant dense<0.000000e+00> : vector<2000x128xf32>
    %dot_general3A_19 = tpu.matmul %sub3A, %get3A_18, %dot_general3A {dimension_numbers = #tpu.dot_dimension_numbers<[1], [0], [0], [1], [0, 0, 1, 1], [], []>, transpose_lhs_hint = false} : vector<2000x512xf32>, vector<512x128xf32>, vector<2000x128xf32> -> vector<2000x128xf32>
    %mul3A = arith.mulf %dot_general3A_19, %dot_general3A_19 : vector<2000x128xf32>
    %reduce_sum3A = arith.constant dense<0.000000e+00> : vector<2000xf32>
    %reduce_sum3A_20 = vector.multi_reduction <add>, %mul3A, %reduce_sum3A [1] : vector<2000x128xf32> to vector<2000xf32>
    %broadcast_in_dim3A = vector.shape_cast %reduce_sum3A_20 : vector<2000xf32> to vector<2000x1xf32>
    %add3A = arith.constant 9.99999996E-13 : f32
    %add3A_21 = vector.broadcast %add3A : f32 to vector<2000x1xf32>
    %add3A_22 = arith.addf %broadcast_in_dim3A, %add3A_21 : vector<2000x1xf32>
    %sqrt3A = math.sqrt %add3A_22 : vector<2000x1xf32>
    %iota3A_23 = tpu.iota {dimensions = array<i32: 1>} : vector<1x16xi32>
    %convert_element_type3A_24 = arith.sitofp %iota3A_23 : vector<1x16xi32> to vector<1x16xf32>
    %mul3A_25 = arith.constant 1.200000e-01 : f32
    %mul3A_26 = vector.broadcast %mul3A_25 : f32 to vector<1x16xf32>
    %mul3A_27 = arith.mulf %convert_element_type3A_24, %mul3A_26 : vector<1x16xf32>
    %sub3A_28 = vector.broadcast %sqrt3A : vector<2000x1xf32> to vector<2000x16xf32>
    %sub3A_29 = vector.broadcast %mul3A_27 : vector<1x16xf32> to vector<2000x16xf32>
    %sub3A_30 = arith.subf %sub3A_28, %sub3A_29 : vector<2000x16xf32>
    %integer_pow3A = arith.mulf %sub3A_30, %sub3A_30 : vector<2000x16xf32>
    %mul3A_31 = arith.constant -1.000000e+01 : f32
    %mul3A_32 = vector.broadcast %mul3A_31 : f32 to vector<2000x16xf32>
    %mul3A_33 = arith.mulf %mul3A_32, %integer_pow3A : vector<2000x16xf32>
    %exp3A = math.exp %mul3A_33 : vector<2000x16xf32>
    %get3A_34 = arith.constant 0 : index
    %get3A_35 = arith.constant 0 : index
    %get3A_36 = vector.load %arg3[%get3A_34, %get3A_35] : memref<512x128xf32, #tpu.memory_space<vmem>>, vector<512x128xf32>
    %convert_element_type3A_37 = arith.truncf %convert_element_type3A_15 : vector<2000x512xf32> to vector<2000x512xbf16>
    %convert_element_type3A_38 = arith.truncf %get3A_36 : vector<512x128xf32> to vector<512x128xbf16>
    %dot_general3A_39 = arith.constant dense<0.000000e+00> : vector<2000x128xf32>
    %dot_general3A_40 = tpu.matmul %convert_element_type3A_37, %convert_element_type3A_38, %dot_general3A_39 {dimension_numbers = #tpu.dot_dimension_numbers<[1], [0], [0], [1], [0, 0, 1, 1], [], []>, transpose_lhs_hint = false} : vector<2000x512xbf16>, vector<512x128xbf16>, vector<2000x128xf32> -> vector<2000x128xf32>
    %get3A_41 = arith.constant 0 : index
    %get3A_42 = arith.constant 0 : index
    %get3A_43 = vector.load %arg5[%get3A_41, %get3A_42] : memref<16x128xf32, #tpu.memory_space<vmem>>, vector<16x128xf32>
    %dot_general3A_44 = arith.constant dense<0.000000e+00> : vector<2000x128xf32>
    %dot_general3A_45 = tpu.matmul %exp3A, %get3A_43, %dot_general3A_44 {dimension_numbers = #tpu.dot_dimension_numbers<[1], [0], [0], [1], [0, 0, 1, 1], [], []>, transpose_lhs_hint = false} : vector<2000x16xf32>, vector<16x128xf32>, vector<2000x128xf32> -> vector<2000x128xf32>
    %mul3A_46 = arith.mulf %dot_general3A_40, %dot_general3A_45 : vector<2000x128xf32>
    %get3A_47 = arith.constant 0 : index
    %get3A_48 = arith.constant 0 : index
    %get3A_49 = vector.load %arg6[%get3A_47, %get3A_48] : memref<128x128xf32, #tpu.memory_space<vmem>>, vector<128x128xf32>
    %dot_general3A_50 = arith.constant dense<0.000000e+00> : vector<2000x128xf32>
    %dot_general3A_51 = tpu.matmul %mul3A_46, %get3A_49, %dot_general3A_50 {dimension_numbers = #tpu.dot_dimension_numbers<[1], [0], [0], [1], [0, 0, 1, 1], [], []>, transpose_lhs_hint = false} : vector<2000x128xf32>, vector<128x128xf32>, vector<2000x128xf32> -> vector<2000x128xf32>
    %tanh3A = math.tanh %dot_general3A_51 : vector<2000x128xf32>
    %div3A = vector.broadcast %sqrt3A : vector<2000x1xf32> to vector<2000x128xf32>
    %div3A_52 = arith.divf %dot_general3A_19, %div3A : vector<2000x128xf32>
    %get3A_53 = arith.constant 0 : index
    %get3A_54 = arith.constant 0 : index
    %get3A_55 = vector.load %arg9[%get3A_53, %get3A_54] : memref<512x128xf32, #tpu.memory_space<vmem>>, vector<512x128xf32>
    %slice3A = vector.extract_strided_slice %div3A_52 {offsets = [0, 0], sizes = [2000, 1], strides = [1, 1]} : vector<2000x128xf32> to vector<2000x1xf32>
    %mul3A_56 = vector.broadcast %slice3A : vector<2000x1xf32> to vector<2000x128xf32>
    %mul3A_57 = arith.mulf %tanh3A, %mul3A_56 : vector<2000x128xf32>
    %convert_element_type3A_58 = arith.truncf %convert_element_type3A_10 : vector<2000x512xf32> to vector<2000x512xbf16>
    %convert_element_type3A_59 = arith.truncf %mul3A_57 : vector<2000x128xf32> to vector<2000x128xbf16>
    %dot_general3A_60 = arith.constant dense<0.000000e+00> : vector<512x128xf32>
    %dot_general3A_61 = tpu.matmul %convert_element_type3A_58, %convert_element_type3A_59, %dot_general3A_60 {dimension_numbers = #tpu.dot_dimension_numbers<[0], [0], [1], [1], [0, 1, 1, 1], [], []>, transpose_lhs_hint = false} : vector<2000x512xbf16>, vector<2000x128xbf16>, vector<512x128xf32> -> vector<512x128xf32>
    %add3A_62 = arith.addf %get3A_55, %dot_general3A_61 : vector<512x128xf32>
    %swap3A = arith.constant 0 : index
    %swap3A_63 = arith.constant 0 : index
    %swap3A_64 = vector.load %arg9[%swap3A, %swap3A_63] : memref<512x128xf32, #tpu.memory_space<vmem>>, vector<512x128xf32>
    tpu.vector_store %arg9[%swap3A, %swap3A_63], %add3A_62 {strides = array<i32>} : memref<512x128xf32, #tpu.memory_space<vmem>>, vector<512x128xf32>,
    %get3A_65 = arith.constant 0 : index
    %get3A_66 = arith.constant 0 : index
    %get3A_67 = vector.load %arg10[%get3A_65, %get3A_66] : memref<512x128xf32, #tpu.memory_space<vmem>>, vector<512x128xf32>
    %slice3A_68 = vector.extract_strided_slice %div3A_52 {offsets = [0, 1], sizes = [2000, 1], strides = [1, 1]} : vector<2000x128xf32> to vector<2000x1xf32>
    %mul3A_69 = vector.broadcast %slice3A_68 : vector<2000x1xf32> to vector<2000x128xf32>
    %mul3A_70 = arith.mulf %tanh3A, %mul3A_69 : vector<2000x128xf32>
    %convert_element_type3A_71 = arith.truncf %convert_element_type3A_10 : vector<2000x512xf32> to vector<2000x512xbf16>
    %convert_element_type3A_72 = arith.truncf %mul3A_70 : vector<2000x128xf32> to vector<2000x128xbf16>
    %dot_general3A_73 = arith.constant dense<0.000000e+00> : vector<512x128xf32>
    %dot_general3A_74 = tpu.matmul %convert_element_type3A_71, %convert_element_type3A_72, %dot_general3A_73 {dimension_numbers = #tpu.dot_dimension_numbers<[0], [0], [1], [1], [0, 1, 1, 1], [], []>, transpose_lhs_hint = false} : vector<2000x512xbf16>, vector<2000x128xbf16>, vector<512x128xf32> -> vector<512x128xf32>
    %add3A_75 = arith.addf %get3A_67, %dot_general3A_74 : vector<512x128xf32>
    %swap3A_76 = arith.constant 0 : index
    %swap3A_77 = arith.constant 0 : index
    %swap3A_78 = vector.load %arg10[%swap3A_76, %swap3A_77] : memref<512x128xf32, #tpu.memory_space<vmem>>, vector<512x128xf32>
    tpu.vector_store %arg10[%swap3A_76, %swap3A_77], %add3A_75 {strides = array<i32>} : memref<512x128xf32, #tpu.memory_space<vmem>>, vector<512x128xf32>,
    %get3A_79 = arith.constant 0 : index
    %get3A_80 = arith.constant 0 : index
    %get3A_81 = vector.load %arg11[%get3A_79, %get3A_80] : memref<512x128xf32, #tpu.memory_space<vmem>>, vector<512x128xf32>
    %slice3A_82 = vector.extract_strided_slice %div3A_52 {offsets = [0, 2], sizes = [2000, 1], strides = [1, 1]} : vector<2000x128xf32> to vector<2000x1xf32>
    %mul3A_83 = vector.broadcast %slice3A_82 : vector<2000x1xf32> to vector<2000x128xf32>
    %mul3A_84 = arith.mulf %tanh3A, %mul3A_83 : vector<2000x128xf32>
    %convert_element_type3A_85 = arith.truncf %convert_element_type3A_10 : vector<2000x512xf32> to vector<2000x512xbf16>
    %convert_element_type3A_86 = arith.truncf %mul3A_84 : vector<2000x128xf32> to vector<2000x128xbf16>
    %dot_general3A_87 = arith.constant dense<0.000000e+00> : vector<512x128xf32>
    %dot_general3A_88 = tpu.matmul %convert_element_type3A_85, %convert_element_type3A_86, %dot_general3A_87 {dimension_numbers = #tpu.dot_dimension_numbers<[0], [0], [1], [1], [0, 1, 1, 1], [], []>, transpose_lhs_hint = false} : vector<2000x512xbf16>, vector<2000x128xbf16>, vector<512x128xf32> -> vector<512x128xf32>
    %add3A_89 = arith.addf %get3A_81, %dot_general3A_88 : vector<512x128xf32>
    %swap3A_90 = arith.constant 0 : index
    %swap3A_91 = arith.constant 0 : index
    %swap3A_92 = vector.load %arg11[%swap3A_90, %swap3A_91] : memref<512x128xf32, #tpu.memory_space<vmem>>, vector<512x128xf32>
    tpu.vector_store %arg11[%swap3A_90, %swap3A_91], %add3A_89 {strides = array<i32>} : memref<512x128xf32, #tpu.memory_space<vmem>>, vector<512x128xf32>,
    %eq3A_93 = arith.constant 7 : i32
    %eq3A_94 = arith.cmpi eq, %arg0, %eq3A_93 : i32
    %convert_element_type3A_95 = arith.extui %eq3A_94 : i1 to i32
    %cond3A_96 = arith.constant 0 : i32
    %cond3A_97 = arith.cmpi ne, %convert_element_type3A_95, %cond3A_96 : i32
    scf.if %cond3A_97 {
      %get3A_98 = arith.constant 0 : index
      %get3A_99 = arith.constant 0 : index
      %get3A_100 = vector.load %arg7[%get3A_98, %get3A_99] : memref<512x128xf32, #tpu.memory_space<vmem>>, vector<512x128xf32>
      %iota3A_101 = tpu.iota {dimensions = array<i32: 1>} : vector<512x128xi32>
      %eq3A_102 = arith.constant 127 : i32
      %eq3A_103 = vector.broadcast %eq3A_102 : i32 to vector<512x128xi32>
      %eq3A_104 = arith.cmpi eq, %iota3A_101, %eq3A_103 : vector<512x128xi32>
      %sub3A_105 = arith.constant 1.270000e+02 : f32
      %sub3A_106 = vector.broadcast %sub3A_105 : f32 to vector<512x128xf32>
      %sub3A_107 = arith.subf %get3A_100, %sub3A_106 : vector<512x128xf32>
      %max3A = arith.constant 0.000000e+00 : f32
      %max3A_108 = vector.broadcast %max3A : f32 to vector<512x128xf32>
      %max3A_109 = arith.maximumf %sub3A_107, %max3A_108 : vector<512x128xf32>
      %convert_element_type3A_110 = arith.sitofp %iota3A_101 : vector<512x128xi32> to vector<512x128xf32>
      %lt3A = arith.cmpf olt, %convert_element_type3A_110, %get3A_100 : vector<512x128xf32>
      %convert_element_type3A_111 = arith.extui %lt3A : vector<512x128xi1> to vector<512x128xi32>
      %convert_element_type3A_112 = arith.sitofp %convert_element_type3A_111 : vector<512x128xi32> to vector<512x128xf32>
      %select_n3A = arith.select %eq3A_104, %max3A_109, %convert_element_type3A_112 : vector<512x128xi1>, vector<512x128xf32>
      %slice3A_113 = vector.extract_strided_slice %get3A_100 {offsets = [0, 0], sizes = [512, 1], strides = [1, 1]} : vector<512x128xf32> to vector<512x1xf32>
      %max3A_114 = arith.constant 1.000000e+00 : f32
      %max3A_115 = vector.broadcast %max3A_114 : f32 to vector<512x1xf32>
      %max3A_116 = arith.maximumf %slice3A_113, %max3A_115 : vector<512x1xf32>
      %div3A_117 = arith.constant 1.000000e+00 : f32
      %div3A_118 = vector.broadcast %div3A_117 : f32 to vector<512x1xf32>
      %div3A_119 = arith.divf %div3A_118, %max3A_116 : vector<512x1xf32>
      %get3A_120 = arith.constant 0 : index
      %get3A_121 = arith.constant 0 : index
      %get3A_122 = vector.load %arg9[%get3A_120, %get3A_121] : memref<512x128xf32, #tpu.memory_space<vmem>>, vector<512x128xf32>
      %mul3A_123 = arith.mulf %get3A_122, %select_n3A : vector<512x128xf32>
      %reduce_sum3A_124 = arith.constant dense<0.000000e+00> : vector<512xf32>
      %reduce_sum3A_125 = vector.multi_reduction <add>, %mul3A_123, %reduce_sum3A_124 [1] : vector<512x128xf32> to vector<512xf32>
      %broadcast_in_dim3A_126 = vector.shape_cast %reduce_sum3A_125 : vector<512xf32> to vector<512x1xf32>
      %mul3A_127 = arith.mulf %broadcast_in_dim3A_126, %div3A_119 : vector<512x1xf32>
      %get3A_128 = arith.constant 0 : index
      %get3A_129 = arith.constant 0 : index
      %get3A_130 = vector.load %arg10[%get3A_128, %get3A_129] : memref<512x128xf32, #tpu.memory_space<vmem>>, vector<512x128xf32>
      %mul3A_131 = arith.mulf %get3A_130, %select_n3A : vector<512x128xf32>
      %reduce_sum3A_132 = arith.constant dense<0.000000e+00> : vector<512xf32>
      %reduce_sum3A_133 = vector.multi_reduction <add>, %mul3A_131, %reduce_sum3A_132 [1] : vector<512x128xf32> to vector<512xf32>
      %broadcast_in_dim3A_134 = vector.shape_cast %reduce_sum3A_133 : vector<512xf32> to vector<512x1xf32>
      %mul3A_135 = arith.mulf %broadcast_in_dim3A_134, %div3A_119 : vector<512x1xf32>
      %get3A_136 = arith.constant 0 : index
      %get3A_137 = arith.constant 0 : index
      %get3A_138 = vector.load %arg11[%get3A_136, %get3A_137] : memref<512x128xf32, #tpu.memory_space<vmem>>, vector<512x128xf32>
      %mul3A_139 = arith.mulf %get3A_138, %select_n3A : vector<512x128xf32>
      %reduce_sum3A_140 = arith.constant dense<0.000000e+00> : vector<512xf32>
      %reduce_sum3A_141 = vector.multi_reduction <add>, %mul3A_139, %reduce_sum3A_140 [1] : vector<512x128xf32> to vector<512xf32>
      %broadcast_in_dim3A_142 = vector.shape_cast %reduce_sum3A_141 : vector<512xf32> to vector<512x1xf32>
      %mul3A_143 = arith.mulf %broadcast_in_dim3A_142, %div3A_119 : vector<512x1xf32>
      %get3A_144 = arith.constant 0 : index
      %get3A_145 = arith.constant 0 : index
      %get3A_146 = vector.load %arg4[%get3A_144, %get3A_145] : memref<512x128xf32, #tpu.memory_space<vmem>>, vector<512x1xf32>
      %sub3A_147 = arith.subf %get3A_146, %mul3A_127 : vector<512x1xf32>
      %get3A_148 = arith.constant 0 : index
      %get3A_149 = arith.constant 1 : index
      %get3A_150 = vector.load %arg4[%get3A_148, %get3A_149] : memref<512x128xf32, #tpu.memory_space<vmem>>, vector<512x1xf32>
      %sub3A_151 = arith.subf %get3A_150, %mul3A_135 : vector<512x1xf32>
      %get3A_152 = arith.constant 0 : index
      %get3A_153 = arith.constant 2 : index
      %get3A_154 = vector.load %arg4[%get3A_152, %get3A_153] : memref<512x128xf32, #tpu.memory_space<vmem>>, vector<512x1xf32>
      %sub3A_155 = arith.subf %get3A_154, %mul3A_143 : vector<512x1xf32>
      %get3A_156 = arith.constant 0 : index
      %get3A_157 = arith.constant 0 : index
      %get3A_158 = vector.load %arg8[%get3A_156, %get3A_157] : memref<512x128xf32, #tpu.memory_space<vmem>>, vector<512x1xf32>
      %concatenate3A = tpu.concatenate %sub3A_147, %sub3A_151, %sub3A_155, %get3A_158 in 1 : vector<512x1xf32>, vector<512x1xf32>, vector<512x1xf32>, vector<512x1xf32> -> vector<512x4xf32>
      %swap3A_159 = arith.constant 0 : index
      %swap3A_160 = arith.constant 0 : index
      %swap3A_161 = vector.load %arg12[%swap3A_159, %swap3A_160] : memref<512x4xf32, #tpu.memory_space<vmem>>, vector<512x4xf32>
      tpu.vector_store %arg12[%swap3A_159, %swap3A_160], %concatenate3A {strides = array<i32>} : memref<512x4xf32, #tpu.memory_space<vmem>>, vector<512x4xf32>,
    } else {
    }
    return
  }
  func.func @transform_0(%arg0: i32) -> (i32, i32) {
    %c0_i32 = arith.constant 0 : i32
    %c0_i32_0 = arith.constant 0 : i32
    return %arg0, %c0_i32 : i32, i32
  }
  func.func @transform_1(%arg0: i32) -> (i32, i32) {
    %c0_i32 = arith.constant 0 : i32
    %c0_i32_0 = arith.constant 0 : i32
    return %arg0, %c0_i32 : i32, i32
  }
  func.func @transform_2(%arg0: i32) -> (i32, i32) {
    %c0_i32 = arith.constant 0 : i32
    %c0_i32_0 = arith.constant 0 : i32
    %c0_i32_1 = arith.constant 0 : i32
    return %c0_i32, %c0_i32_0 : i32, i32
  }
  func.func @transform_3(%arg0: i32) -> (i32, i32) {
    %c0_i32 = arith.constant 0 : i32
    %c0_i32_0 = arith.constant 0 : i32
    %c0_i32_1 = arith.constant 0 : i32
    return %c0_i32, %c0_i32_0 : i32, i32
  }
  func.func @transform_4(%arg0: i32) -> (i32, i32) {
    %c0_i32 = arith.constant 0 : i32
    %c0_i32_0 = arith.constant 0 : i32
    %c0_i32_1 = arith.constant 0 : i32
    return %c0_i32, %c0_i32_0 : i32, i32
  }
  func.func @transform_5(%arg0: i32) -> (i32, i32) {
    %c0_i32 = arith.constant 0 : i32
    %c0_i32_0 = arith.constant 0 : i32
    %c0_i32_1 = arith.constant 0 : i32
    return %c0_i32, %c0_i32_0 : i32, i32
  }
  func.func @transform_6(%arg0: i32) -> (i32, i32) {
    %c0_i32 = arith.constant 0 : i32
    %c0_i32_0 = arith.constant 0 : i32
    %c0_i32_1 = arith.constant 0 : i32
    return %c0_i32, %c0_i32_0 : i32, i32
  }
  func.func @transform_7(%arg0: i32) -> (i32, i32) {
    %c0_i32 = arith.constant 0 : i32
    %c0_i32_0 = arith.constant 0 : i32
    %c0_i32_1 = arith.constant 0 : i32
    return %c0_i32, %c0_i32_0 : i32, i32
  }
  func.func @transform_8(%arg0: i32) -> (i32, i32) {
    %c0_i32 = arith.constant 0 : i32
    %c0_i32_0 = arith.constant 0 : i32
    %c0_i32_1 = arith.constant 0 : i32
    return %c0_i32, %c0_i32_0 : i32, i32
  }
  func.func @transform_9(%arg0: i32) -> (i32, i32) {
    %c0_i32 = arith.constant 0 : i32
    %c0_i32_0 = arith.constant 0 : i32
    %c0_i32_1 = arith.constant 0 : i32
    return %c0_i32, %c0_i32_0 : i32, i32
  }
  func.func @transform_10(%arg0: i32) -> (i32, i32) {
    %c0_i32 = arith.constant 0 : i32
    %c0_i32_0 = arith.constant 0 : i32
    %c0_i32_1 = arith.constant 0 : i32
    return %c0_i32, %c0_i32_0 : i32, i32
  }
  func.func @transform_11(%arg0: i32) -> (i32, i32) {
    %c0_i32 = arith.constant 0 : i32
    %c0_i32_0 = arith.constant 0 : i32
    %c0_i32_1 = arith.constant 0 : i32
    return %c0_i32, %c0_i32_0 : i32, i32
  }
}

</mosaic_0001>

<sc_bundles>
// kernel: kernel.11.cloned.1.call-start
scs
__scs_entry_jumppad:
0x0: {  	(pc) =	sbr.rel $0x88, $3  }
0x1: {  	(tag) =	ssettag $0x0;
	lr =	simm.s32 $0x1  }
0x2: {  	[smem:$0x3F8B] =	sst lr;
	_ =	strace $0xD0000000  }
0x3: {  	_ = 	snop  }
0x4: {  	_ = 	snop  }
0x5: {  	_ = 	snop  }
0x6: {  	_ = 	snop  }
0x7: {  	_ = 	snop  }
__scs_overlays_trampoline_lowered:
0x8: {  	[smem:$0x3F9A] =	sst s0  }
0x9: {  	[smem:$0x3F9B] =	sst s1  }
0xa: {  	[smem:$0x3F9C] =	sst s2  }
0xb: {  	[smem:$0x3F9D] =	sst s3  }
0xc: {  	[smem:$0x3F9E] =	sst s4  }
0xd: {  	[smem:$0x3F9F] =	sst s5  }
0xe: {  	[smem:$0x3FA0] =	sst s6  }
0xf: {  	[smem:$0x3FA1] =	sst s7  }
0x10: {  	[smem:$0x3FA2] =	sst s8  }
0x11: {  	[smem:$0x3FA3] =	sst s9;
	s0 =	simm.s32 @!p0 $0x0  }
0x12: {  	s1 =	sld [smem:$0x3F89];
	s0 =	simm.s32 @p0 $0x1  }
0x13: {  	[smem:$0x3FA4] =	sst s0;
	s0 =	simm.s32 @!p1 $0x0  }
0x14: {  	s2 =	sld [smem:$0x3F88];
	s0 =	simm.s32 @p1 $0x1  }
0x15: {  	[smem:$0x3FA5] =	sst s0;
	s0 =	simm.s32 @!p2 $0x0  }
0x16: {  	s3 =	sld [smem:$0x3FDB];
	s0 =	simm.s32 @p2 $0x1  }
0x17: {  	s4 =	simm.s32 $0x1BF5;
	[smem:$0x3FA7] =	sst s0  }
0x18: {  	s0 =	sld [smem:$0x3F8A];
	_ =	swait.ge [sflag:s4], $0x0  }
0x19: {  	s7 =	sld [smem:$0x3F8B]  }
0x1a: {  	s8 =	sadd.s32 $0xFFFFE003, lr  }
0x1b: {  	s9 =	sadd.s32 $0xFFFFFEF7, lr;
	s5 =	simm.s32 $0xFFFFFFFF;
	p2 =	slt.u32 s8, $0xFFFFF086  }
0x1c: {  	p1 =	slt.u32 s9, $0xF7A;
	s5 =	simm.s32 @!p2 $0x0  }
0x1d: {  	s5 =	simm.s32 @p1 $0x1;
	p0 =	seq.s32 s7, s2  }
0x1e: {  	s7 =	smul.u32 @!p0 $0xF7A, s2;
	p2 =	seq.s32 @!p0 s5, $0x0  }
0x1f: {  	s9 =	smul.u32 $0xF7A, s1;
	s8 =	simm.s32 @!p0 $0x1BF5;
	p2 =	por !p2, p0  }
0x20: {  	[sflag:s8] =	ssyncset.s32 @!p0 $0xFFFFF086;
	s6 =	sadd.s32 @!p0 s3, s7;
	s7 =	simm.s32 @!p0 $0x108  }
0x21: {  	s3 =	sadd.s32 s3, s9;
	s6 =	sadd.s32 @!p0 $0x88, s6;
	s7 =	simm.s32 @p2 $0x1082  }
0x22: {  	[simem:s7], [sflag:s8] =	dma.local @!p0 [hbm:s6], $0xF7A  }
0x23: {  	s9 =	sor.u32 $0xD0000000, s2;
	s6 =	simm.s32 $0x108;
	_ =	swait.ge @!p0 [sflag:s8], $0x0  }
0x24: {  	s3 =	sadd.s32 $0x88, s3;
	s6 =	simm.s32 @!p1 $0x1082;
	[sflag:s4] =	ssyncset.s32 $0xFFFFF086  }
0x25: {  	[simem:s6], [sflag:s4] =	dma.local [hbm:s3], $0xF7A  }
0x26: {  	[smem:$0x3F8B] =	sst s1;
	(tag) =	ssettag s2;
	_ =	strace s9  }
0x27: {  	s1 =	sld [smem:$0x3F9B]  }
0x28: {  	s2 =	sld [smem:$0x3F9C]  }
0x29: {  	s4 =	sld [smem:$0x3F9E]  }
0x2a: {  	p0 =	seq.s32 s5, $0x0;
	s5 =	sld [smem:$0x3F9F]  }
0x2b: {  	s6 =	sld [smem:$0x3FA0]  }
0x2c: {  	s7 =	sld [smem:$0x3FA1]  }
0x2d: {  	s3 =	simm.s32 $0x108;
	s8 =	sld [smem:$0x3FA2]  }
0x2e: {  	s3 =	simm.s32 @!p0 $0x1082;
	s9 =	sld [smem:$0x3FA3]  }
0x2f: {  	lr =	sadd.s32 s0, s3;
	s0 =	sld [smem:$0x3F9A]  }
0x30: {  	s3 =	sld [smem:$0x3F9D]  }
0x31: {  	[smem:$0x3FA6] =	sst s10  }
0x32: {  	s10 =	sld [smem:$0x3FA4];
	_ =	sdelay $0x3  }
0x33: {  	p0 =	seq.s32 s10, $0x1;
	s10 =	sld [smem:$0x3FA6];
	_ =	sdelay $0x3  }
0x34: {  	[smem:$0x3FA6] =	sst s10  }
0x35: {  	s10 =	sld [smem:$0x3FA5];
	_ =	sdelay $0x3  }
0x36: {  	p1 =	seq.s32 s10, $0x1;
	s10 =	sld [smem:$0x3FA6];
	_ =	sdelay $0x3  }
0x37: {  	[smem:$0x3FA6] =	sst s10  }
0x38: {  	s10 =	sld [smem:$0x3FA7]  }
0x39: {  	_ = 	snop;
	(pc) =	sbr.ind lr, $3  }
0x3a: {  	_ = 	snop  }
0x3b: {  	_ = 	snop  }
0x3c: {  	p2 =	seq.s32 s10, $0x1;
	s10 =	sld [smem:$0x3FA6]  }
0x3d: {  	_ =	shalt  }
0x3e: {  	_ =	shalt  }
0x3f: {  	_ =	shalt  }
0x40: {  	_ =	shalt  }
0x41: {  	_ =	shalt  }
0x42: {  	_ =	shalt  }
0x43: {  	_ =	shalt  }
0x44: {  	_ =	shalt  }
0x45: {  	_ =	shalt  }
0x46: {  	_ =	shalt  }
0x47: {  	_ =	shalt  }
0x48: {  	_ =	shalt  }
0x49: {  	_ =	shalt  }
0x4a: {  	_ =	shalt  }
0x4b: {  	_ =	shalt  }
0x4c: {  	_ =	shalt  }
0x4d: {  	_ =	shalt  }
0x4e: {  	_ =	shalt  }
0x4f: {  	_ =	shalt  }
0x50: {  	_ =	shalt  }
0x51: {  	_ =	shalt  }
0x52: {  	_ =	shalt  }
0x53: {  	_ =	shalt  }
0x54: {  	_ =	shalt  }
0x55: {  	_ =	shalt  }
0x56: {  	_ =	shalt  }
0x57: {  	_ =	shalt  }
0x58: {  	_ =	shalt  }
0x59: {  	_ =	shalt  }
0x5a: {  	_ =	shalt  }
0x5b: {  	_ =	shalt  }
0x5c: {  	_ =	shalt  }
0x5d: {  	_ =	shalt  }
0x5e: {  	_ =	shalt  }
0x5f: {  	_ =	shalt  }
0x60: {  	_ =	shalt  }
0x61: {  	_ =	shalt  }
0x62: {  	_ =	shalt  }
0x63: {  	_ =	shalt  }
0x64: {  	_ =	shalt  }
0x65: {  	_ =	shalt  }
0x66: {  	_ =	shalt  }
0x67: {  	_ =	shalt  }
0x68: {  	_ =	shalt  }
0x69: {  	_ =	shalt  }
0x6a: {  	_ =	shalt  }
0x6b: {  	_ =	shalt  }
0x6c: {  	_ =	shalt  }
0x6d: {  	_ =	shalt  }
0x6e: {  	_ =	shalt  }
0x6f: {  	_ =	shalt  }
0x70: {  	_ =	shalt  }
0x71: {  	_ =	shalt  }
0x72: {  	_ =	shalt  }
0x73: {  	_ =	shalt  }
0x74: {  	_ =	shalt  }
0x75: {  	_ =	shalt  }
0x76: {  	_ =	shalt  }
0x77: {  	_ =	shalt  }
0x78: {  	_ =	shalt  }
0x79: {  	_ =	shalt  }
0x7a: {  	_ =	shalt  }
0x7b: {  	_ =	shalt  }
0x7c: {  	_ =	shalt  }
0x7d: {  	_ =	shalt  }
0x7e: {  	_ =	shalt  }
0x7f: {  	_ =	shalt  }
0x80: {  	_ =	shalt  }
0x81: {  	_ =	shalt  }
0x82: {  	_ =	shalt  }
0x83: {  	_ =	shalt  }
0x84: {  	_ =	shalt  }
0x85: {  	_ =	shalt  }
0x86: {  	_ =	shalt  }
0x87: {  	_ =	shalt  }
.Lfunc_end0:
.L_simem_size_0:
called_computation.1_lowered:
.L_overlay_start_0:
0x88: {  	s2 =	sld [smem:$0x3FD9]  }
0x89: {  	s3 =	sld [smem:$0x3FFE];
	_ =	sdelay $0x1  }
0x8a: {  	s1 =	srdreg.scid  }
0x8b: {  	s0 =	sand.u32 $0x1, s1  }
0x8c: {  	s14 =	sshll.u32 s0, $0xA;
	s2 =	sadd.s32 s3, s2  }
0x8d: {  	s2 =	sadd.s32 s2, s14  }
0x8e: {  	[smem:$0x3FB2] =	sst s2  }
0x8f: {  	_ = 	snop  }
0x90: {  	s2 =	sld [smem:$0x3FD0];
	_ =	sdelay $0x2  }
0x91: {  	s15 =	simm.s32 $0xA;
	s4 =	simm.s32 $0x10  }
0x92: {  	[smem:s4], [sflag:s15] =	dma.local [hbm:s2], $0x1  }
0x93: {  	_ =	swait.eq [sflag:s15], $0x1  }
0x94: {  	[sflag:s15] =	ssyncset.done $0x0  }
0x95: {  	s16 =	sld [smem:$0x12];
	[sflag:s15] =	ssyncadd.s32 $0xFFFFFFFF  }
0x96: {  	s17 =	sld [smem:$0x13];
	(tm) =	ssettm $0x1  }
0x97: {  	s18 =	sld [smem:$0x3FFB];
	_ =	sdelay $0x3  }
0x98: {  	_ =	strace s18  }
0x99: {  	s4 =	sld [smem:$0x3FFC];
	_ =	sdelay $0x3  }
0x9a: {  	_ =	strace s4  }
0x9b: {  	s4 =	sld [smem:$0x3FFD];
	_ =	sdelay $0x3  }
0x9c: {  	_ =	strace s4  }
0x9d: {  	_ =	strace $0x8FFFFFFF  }
0x9e: {  	s19 =	sld [smem:$0x3FDB];
	_ =	sdelay $0x1  }
0x9f: {  	s5 =	simm.s32 $_scs_section_size  }
0xa0: {  	s6 =	simm.s32 $_size__tile_overlayer_lowered;
	s7 =	simm.s32 $_tile_overlayer_lowered  }
0xa1: {  	s22 =	simm.s32 $0x1BFF;
	s21 =	sshll.u32 s7, $0x1;
	s4 =	sadd.s32 s5, s19  }
0xa2: {  	s8 =	simm.s32 $0x0;
	s20 =	sshll.u32 s6, $0x1;
	s6 =	sadd.s32 s21, s4  }
0xa3: {  	[timem:s8], [sflag:s22] =	dma.local [hbm:s6], s20  }
0xa4: {  	_ =	swait.ge [sflag:s22], s20  }
0xa5: {  	s5 =	ssub.s32 $0x0, s20;
	[sflag:s22] =	ssyncset.done $0x0  }
0xa6: {  	[sflag:s22] =	ssyncadd.s32 s5;
	_ =	sdelay $0x1  }
0xa7: {  	s23 =	simm.s32 $0x1B8B  }
0xa8: {  	_ =	swait.ge [sflag:s23], $0x1  }
0xa9: {  	[sflag:s23] =	ssyncset.done $0x0  }
0xaa: {  	s25 =	simm.s32 $0x1B8E;
	s24 =	sld [smem:$0x3FFE];
	[sflag:s23] =	ssyncadd.s32 $0xFFFFFFFF  }
0xab: {  	s26 =	simm.s32 $execute0_lowered;
	[smem:$0x3FD2] =	sst s25  }
0xac: {  	s6 =	sshll.u32 s26, $0x1;
	_ =	strace $0x80000049;
	[dreg:$0x1] =	wrdreg $0xFFFFFFFF  }
0xad: {  	s28 =	simm.s32 $_size_execute0_lowered;
	s4 =	sadd.s32 s4, s6;
	[dreg:$0x0] =	wrdreg $0x0  }
0xae: {  	s6 =	sshll.u32 s28, $0x1;
	[dreg:$0x2] =	wrdreg s4  }
0xaf: {  	[dreg:$0x3] =	wrdreg s6  }
0xb0: {  	[dreg:$0x4] =	wrdreg $0xC0  }
0xb1: {  	_ =	task [dreg:s8], $0x5FFFF  }
0xb2: {  	[dreg:$0x1] =	wrdreg $0xFFFFFFFF  }
0xb3: {  	[dreg:$0x0] =	wrdreg $0x60  }
0xb4: {  	[dreg:$0x2] =	wrdreg s17  }
0xb5: {  	[dreg:$0x3] =	wrdreg s16  }
0xb6: {  	[dreg:$0x4] =	wrdreg s24  }
0xb7: {  	[dreg:$0x5] =	wrdreg $0x9  }
0xb8: {  	_ =	task.clear_ibuf [dreg:s8], $0x6FFFF;
	_ =	strace $0x90000049  }
0xb9: {  	s29 =	simm.s32 $0x9;
	_ =	strace $0x8000004B  }
0xba: {  	_ =	swait.ge [sflag:s29], $0x1  }
0xbb: {  	[sflag:s29] =	ssyncadd.s32 $0xFFFFFFFF  }
0xbc: {  	_ =	strace $0x9000004B  }
0xbd: {  	_ =	sfence  }
0xbe: {  	s30 =	sld [smem:$0x0];
	_ =	sdelay $0x2  }
0xbf: {  	s31 =	sshll.u32 s1, $0xD;
	s1 =	sshrl.u32 s1, $0x2  }
0xc0: {  	s3 =	sand.u32 $0x4000, s31;
	s1 =	sadd.s32 s1, s30  }
0xc1: {  	s0 =	sor.u32 s3, s0;
	s1 =	sshll.u32 s1, $0x11  }
0xc2: {  	s0 =	sor.u32 s1, s0  }
0xc3: {  	s0 =	sadd.s32 $0x8F2B, s0  }
0xc4: {  	[sflag:s0] =	ssyncadd.remote.s32 $0x1  }
0xc5: {  	_ =	sfence.sel $0xFFFF  }
0xc6: {  	[dreg:$0x0] =	wrdreg $0xFFFFFFFF;
	(pc) =	sbr.abs _section_cstart, $3  }
0xc7: {  	[dreg:$0x1] =	wrdreg $0xFFFFFFFF  }
0xc8: {  	_ =	task.clear_ibuf [dreg:s8], $0x2FFFF;
	_ =	strace $0x9FFFFFFF  }
0xc9: {  	(tm) =	ssettm $0x7FFFFFFF  }
tec
execute0_lowered:
.L_overlay_start_1:
0x0: {  	(tag) =	ssettag $0x1  }
0x1: {  	s5 =	rddreg [dreg:$0x0]  }
0x2: {  	s2 =	rddreg [dreg:$0x1]  }
0x3: {  	s1 =	srdreg.scid;
	s0 =	stileid.u32  }
0x4: {  	s6 =	rddreg [dreg:$0x2];
	s3 =	simm.s32 $0x0;
	s9 =	simm.s32 $0x2  }
0x5: {  	s10 =	simm.s32 $0x140;
	s12 =	simm.s32 $0x1;
	s13 =	simm.s32 $0x0  }
0x6: {  	s4 =	sand.u32 $0x1, s1;
	s7 =	sshll.u32 s0, $0x1;
	s1 =	rddreg [dreg:$0x3]  }
0x7: {  	[smem:$0x7FF] =	sst s3;
	s7 =	sor.u32 s4, s7;
	s30 =	ssub.s32 $0x2, s4  }
0x8: {  	_ =	strace $0x8000004A;
	s11 =	smul.u32 $0x140, s7;
	s8 =	sshrl.u32 s30, $0x1  }
0x9: {  	s4 =	sadd.s32 $0x103C00, s6;
	s7 =	ssub.s32 s30, s8;
	s8 =	simm.s32 $0x280  }
0xa: {  	v1 =	vlaneseq.u32;
	s6 =	sadd.s32 s11, s6;
	s31 =	sshrl.u32 s11, $0x3;
	s7 =	smax.u32 s7, $0x1  }
0xb: {  	v0 =	vor.u32 s11, v1;
	s11 =	simm.s32 $0x1280;
	v1 =	vmul.u32 $0x8, v1;
	s5 =	sadd.s32 s5, s31;
	s6 =	sadd.s32 $0x3C00, s6  }
.LBB2_1:
0xc: {  	[tilespmem:s8], [sflag:$0x2] =	stream.linear.gather [hbm4b:s2+s3], $0x1000, $0x38;
	[tilespmem:$0x1C80] =	vst v63  }
0xd: {  	_ =	swait.ge [sflag:s9], $0x1000  }
0xe: {  	[sflag:s9] =	ssyncset.done $0x0  }
0xf: {  	[sflag:s9] =	ssyncadd.s32 $0xFFFFF000  }
0x10: {  	[tilespmem:s3], [sflag:$0x2] =	stream.linear.gather [hbm4b:s5+s3], $0x140, $0x38;
	[tilespmem:$0x1C80] =	vst v63  }
0x11: {  	_ =	swait.ge [sflag:s9], $0x140  }
0x12: {  	[sflag:s9] =	ssyncset.done $0x0  }
0x13: {  	[sflag:s9] =	ssyncadd.s32 $0xFFFFFEC0  }
0x14: {  	v2 =	vld [tilespmem:s3+$0x0];
	_ =	sdelay $0x4  }
0x15: {  	v3 =	vshll.u32 v2, $0x3  }
0x16: {  	v3 =	vor.u32 $0x3, v3;
	_ =	sdelay $0x4  }
0x17: {  	v3 =	vld.idx.msk [tilespmem:v3+s8+$0x0], $0xffff;
	_ =	sdelay $0x4  }
0x18: {  	v3 =	vtrunc.f32 v3  }
0x19: {  	v3 =	vcvt.f32.s32 v3  }
0x1a: {  	v4 =	vadd.s32 s3, v0  }
0x1b: {  	v3 =	vsub.s32 v4, v3  }
0x1c: {  	vm0 =	vlt.s32 v3, $0x7F  }
0x1d: {  	v2 =	vshll.u32 v2, $0x7;
	v3 =	vnsel vm0, $0x7F, v3  }
0x1e: {  	v2 =	vadd.s32 v2, v3  }
0x1f: {  	s15 =	simm.s32 $0x10;
	[tilespmem:s10+$0x0] =	vst v2  }
0x20: {  	s16 =	simm.s32 $0x20;
	s14 =	simm.s32 $0x140;
	s17 =	simm.s32 $0x10;
	v2 =	vld [tilespmem:s15+$0x0]  }
.LBB2_2:
0x21: {  	p0 =	sne.s32 s16, $0x130;
	_ =	sdelay $0x3  }
0x22: {  	v3 =	vshll.u32 v2, $0x3  }
0x23: {  	v3 =	vor.u32 $0x3, v3;
	_ =	sdelay $0x4  }
0x24: {  	v3 =	vld.idx.msk [tilespmem:v3+s8+$0x0], $0xffff;
	_ =	sdelay $0x5  }
0x25: {  	v3 =	vtrunc.f32 v3  }
0x26: {  	v3 =	vcvt.f32.s32 v3  }
0x27: {  	v4 =	vadd.s32 s15, v0;
	s15 =	smov.u32 s16  }
0x28: {  	v3 =	vsub.s32 v4, v3  }
.Ltmp0:
0x29: {  	vm0 =	vlt.s32 v3, $0x7F;
	(pc) =	sbr.rel @p0 .LBB2_2-.Ltmp0, $4  }
0x2a: {  	v2 =	vshll.u32 v2, $0x7;
	v3 =	vnsel vm0, $0x7F, v3  }
0x2b: {  	s14 =	sadd.s32 $0x10, s14;
	v2 =	vadd.s32 v2, v3  }
0x2c: {  	s17 =	sadd.s32 $0x10, s17;
	[tilespmem:s14+$0x0] =	vst v2  }
0x2d: {  	s16 =	sadd.s32 $0x10, s16;
	v2 =	vld [tilespmem:s17+$0x0]  }
0x2e: {  	_ =	sdelay $0x3  }
0x2f: {  	v3 =	vshll.u32 v2, $0x3  }
0x30: {  	v3 =	vor.u32 $0x3, v3;
	_ =	sdelay $0x4  }
0x31: {  	v3 =	vld.idx.msk [tilespmem:v3+s8+$0x0], $0xffff;
	_ =	sdelay $0x4  }
0x32: {  	v3 =	vtrunc.f32 v3  }
0x33: {  	v3 =	vcvt.f32.s32 v3  }
0x34: {  	v4 =	vadd.s32 s15, v0  }
0x35: {  	v3 =	vsub.s32 v4, v3  }
0x36: {  	vm0 =	vlt.s32 v3, $0x7F  }
0x37: {  	v2 =	vshll.u32 v2, $0x7;
	v3 =	vnsel vm0, $0x7F, v3  }
0x38: {  	s14 =	sadd.s32 $0x10, s14;
	v2 =	vadd.s32 v2, v3  }
0x39: {  	[tilespmem:s14+$0x0] =	vst v2  }
0x3a: {  	[tilespmem:s11], [sflag:$0x1] =	stream.indirect.gather [hbm4b:s4+s10], $0x8, s10, s10, $0xb8;
	[tilespmem:$0x1C80] =	vst v63  }
0x3b: {  	_ =	swait.ge [sflag:s12], $0xA00  }
0x3c: {  	[sflag:s12] =	ssyncset.done $0x0  }
0x3d: {  	s14 =	simm.s32 $0x0;
	[sflag:s12] =	ssyncadd.s32 $0xFFFFF600  }
0x3e: {  	v2 =	vld [tilespmem:s14+$0x0];
	_ =	sdelay $0x1  }
0x3f: {  	v3 =	vmov s14  }
0x40: {  	v3 =	vshll.u32 v3, $0x3  }
0x41: {  	v3 =	vor.u32 v1, v3  }
0x42: {  	v2 =	vshll.u32 v2, $0x3;
	_ =	sdelay $0x3  }
0x43: {  	v4 =	vld.idx.msk [tilespmem:v3+s11+$0x0], $0xffff  }
0x44: {  	v5 =	vld.idx.msk [tilespmem:v2+s8+$0x0], $0xffff;
	_ =	sdelay $0x2  }
0x45: {  	v6 =	vor.u32 $0x1, v2  }
0x46: {  	v7 =	vor.u32 $0x1, v3  }
0x47: {  	v4 =	vadd.f32 v4, v5;
	_ =	sdelay $0x1  }
0x48: {  	[tilespmem:v3+s11+$0x0] =	vst.idx.msk $0xffff, v4  }
0x49: {  	v4 =	vld.idx.msk [tilespmem:v6+s8+$0x0], $0xffff  }
0x4a: {  	v5 =	vld.idx.msk [tilespmem:v7+s11+$0x0], $0xffff;
	_ =	sdelay $0x2  }
0x4b: {  	v6 =	vor.u32 $0x2, v2  }
0x4c: {  	v2 =	vor.u32 $0x2, v3  }
0x4d: {  	v3 =	vadd.f32 v5, v4;
	_ =	sdelay $0x1  }
0x4e: {  	[tilespmem:v7+s11+$0x0] =	vst.idx.msk $0xffff, v3  }
0x4f: {  	v3 =	vld.idx.msk [tilespmem:v6+s8+$0x0], $0xffff  }
0x50: {  	s15 =	simm.s32 $0x10;
	v4 =	vld.idx.msk [tilespmem:v2+s11+$0x0], $0xffff  }
.LBB2_4:
0x51: {  	_ =	sdelay $0x1  }
0x52: {  	p0 =	sne.s32 s15, $0x130  }
0x53: {  	s14 =	sadd.s32 $0x10, s14;
	s16 =	smov.u32 s15;
	s15 =	sadd.s32 $0x10, s15  }
0x54: {  	v3 =	vadd.f32 v4, v3;
	_ =	sdelay $0x1  }
0x55: {  	[tilespmem:v2+s11+$0x0] =	vst.idx.msk $0xffff, v3  }
0x56: {  	v2 =	vld [tilespmem:s14+$0x0];
	_ =	sdelay $0x1  }
0x57: {  	v3 =	vmov s16  }
0x58: {  	v3 =	vshll.u32 v3, $0x3  }
0x59: {  	v3 =	vor.u32 v1, v3  }
0x5a: {  	v2 =	vshll.u32 v2, $0x3;
	_ =	sdelay $0x3  }
0x5b: {  	v4 =	vld.idx.msk [tilespmem:v3+s11+$0x0], $0xffff  }
0x5c: {  	v5 =	vld.idx.msk [tilespmem:v2+s8+$0x0], $0xffff;
	_ =	sdelay $0x3  }
0x5d: {  	v6 =	vor.u32 $0x1, v2  }
0x5e: {  	v7 =	vor.u32 $0x1, v3  }
0x5f: {  	v4 =	vadd.f32 v4, v5;
	_ =	sdelay $0x1  }
0x60: {  	[tilespmem:v3+s11+$0x0] =	vst.idx.msk $0xffff, v4  }
0x61: {  	v4 =	vld.idx.msk [tilespmem:v6+s8+$0x0], $0xffff  }
0x62: {  	v5 =	vld.idx.msk [tilespmem:v7+s11+$0x0], $0xffff;
	_ =	sdelay $0x3  }
0x63: {  	v6 =	vor.u32 $0x2, v2;
	v2 =	vor.u32 $0x2, v3;
	_ =	sdelay $0x1  }
.Ltmp1:
0x64: {  	v3 =	vadd.f32 v5, v4;
	(pc) =	sbr.rel @p0 .LBB2_4-.Ltmp1, $4  }
0x65: {  	_ = 	snop  }
0x66: {  	[tilespmem:v7+s11+$0x0] =	vst.idx.msk $0xffff, v3  }
0x67: {  	v3 =	vld.idx.msk [tilespmem:v6+s8+$0x0], $0xffff  }
0x68: {  	v4 =	vld.idx.msk [tilespmem:v2+s11+$0x0], $0xffff  }
0x69: {  	_ =	sdelay $0x3  }
0x6a: {  	s13 =	sadd.s32 $0x1, s13;
	v3 =	vadd.f32 v4, v3  }
0x6b: {  	p0 =	sne.s32 s13, s7  }
.Ltmp2:
0x6c: {  	[tilespmem:v2+s11+$0x0] =	vst.idx.msk $0xffff, v3;
	(pc) =	sbr.rel @p0 .LBB2_1-.Ltmp2, $4  }
0x6d: {  	[hbm4b:s6+s3] =	stream.linear.scatter [tilespmem:s11], [sflag:$0x2], $0xA00, $0x38;
	[tilespmem:$0x1C80] =	vst v63  }
0x6e: {  	_ =	swait.ge [sflag:s9], $0xA00  }
0x6f: {  	[sflag:s9] =	ssyncset.done $0x0  }
0x70: {  	[sflag:s9] =	ssyncadd.s32 $0xFFFFF600  }
0x71: {  	_ =	sfence.sel $0x180000  }
0x72: {  	[bflag:$0x0] =	sbarrier.arrive $0xFFFF  }
0x73: {  	p0 =	sne.s32 s0, $0x0;
	_ =	strace $0x9000004A  }
0x74: {  	s0 =	sadd.s32 @!p0 $0x100000, s1;
	[bflag:$0x2] =	sbarrier.arrive $0xFFFF  }
0x75: {  	[sflag:s0] =	ssyncadd.tile.s32 @!p0 $0x1;
	_ =	shalt  }
.Lfunc_end2:
_tile_overlayer_lowered:
.L_overlay_start_2:
0x76: {  	(tag) =	ssettag $0x2  }
0x77: {  	s0 =	rddreg [dreg:$0x0];
	s2 =	stileid.u32  }
0x78: {  	s1 =	rddreg [dreg:$0x1];
	p0 =	sne.s32 s2, $0x0  }
0x79: {  	s3 =	rddreg [dreg:$0x2];
	[bflag:$0x3] =	sbarrier.arrive $0xFFFF;
	s2 =	simm.s32 @!p0 $0x1C02  }
0x7a: {  	[timem:s3], [sflag:s2] =	dma.local @!p0 [hbm:s0], s1  }
0x7b: {  	s0 =	simm.s32 @!p0 $0x2  }
0x7c: {  	_ =	swait.ge @!p0 [sflag:s0], s1  }
0x7d: {  	s1 =	ssub.s32 @!p0 $0x0, s1;
	[sflag:s0] =	ssyncset.done @!p0 $0x0  }
0x7e: {  	[sflag:s0] =	ssyncadd.s32 @!p0 s1  }
0x7f: {  	[bflag:$0x3] =	sbarrier.arrive $0xFFFF  }
0x80: {  	_ =	shalt  }

// kernel: kernel.8.cloned.1.call-start
scs
__scs_entry_jumppad:
0x0: {  	(pc) =	sbr.rel $0x88, $3  }
0x1: {  	(tag) =	ssettag $0x0;
	lr =	simm.s32 $0x1  }
0x2: {  	[smem:$0x3F8B] =	sst lr;
	_ =	strace $0xD0000000  }
0x3: {  	_ = 	snop  }
0x4: {  	_ = 	snop  }
0x5: {  	_ = 	snop  }
0x6: {  	_ = 	snop  }
0x7: {  	_ = 	snop  }
__scs_overlays_trampoline_lowered:
0x8: {  	[smem:$0x3F9A] =	sst s0  }
0x9: {  	[smem:$0x3F9B] =	sst s1  }
0xa: {  	[smem:$0x3F9C] =	sst s2  }
0xb: {  	[smem:$0x3F9D] =	sst s3  }
0xc: {  	[smem:$0x3F9E] =	sst s4  }
0xd: {  	[smem:$0x3F9F] =	sst s5  }
0xe: {  	[smem:$0x3FA0] =	sst s6  }
0xf: {  	[smem:$0x3FA1] =	sst s7  }
0x10: {  	[smem:$0x3FA2] =	sst s8  }
0x11: {  	[smem:$0x3FA3] =	sst s9;
	s0 =	simm.s32 @!p0 $0x0  }
0x12: {  	s1 =	sld [smem:$0x3F89];
	s0 =	simm.s32 @p0 $0x1  }
0x13: {  	[smem:$0x3FA4] =	sst s0;
	s0 =	simm.s32 @!p1 $0x0  }
0x14: {  	s2 =	sld [smem:$0x3F88];
	s0 =	simm.s32 @p1 $0x1  }
0x15: {  	[smem:$0x3FA5] =	sst s0;
	s0 =	simm.s32 @!p2 $0x0  }
0x16: {  	s3 =	sld [smem:$0x3FDB];
	s0 =	simm.s32 @p2 $0x1  }
0x17: {  	s4 =	simm.s32 $0x1BF5;
	[smem:$0x3FA7] =	sst s0  }
0x18: {  	s0 =	sld [smem:$0x3F8A];
	_ =	swait.ge [sflag:s4], $0x0  }
0x19: {  	s7 =	sld [smem:$0x3F8B]  }
0x1a: {  	s8 =	sadd.s32 $0xFFFFE003, lr  }
0x1b: {  	s9 =	sadd.s32 $0xFFFFFEF7, lr;
	s5 =	simm.s32 $0xFFFFFFFF;
	p2 =	slt.u32 s8, $0xFFFFF086  }
0x1c: {  	p1 =	slt.u32 s9, $0xF7A;
	s5 =	simm.s32 @!p2 $0x0  }
0x1d: {  	s5 =	simm.s32 @p1 $0x1;
	p0 =	seq.s32 s7, s2  }
0x1e: {  	s7 =	smul.u32 @!p0 $0xF7A, s2;
	p2 =	seq.s32 @!p0 s5, $0x0  }
0x1f: {  	s9 =	smul.u32 $0xF7A, s1;
	s8 =	simm.s32 @!p0 $0x1BF5;
	p2 =	por !p2, p0  }
0x20: {  	[sflag:s8] =	ssyncset.s32 @!p0 $0xFFFFF086;
	s6 =	sadd.s32 @!p0 s3, s7;
	s7 =	simm.s32 @!p0 $0x108  }
0x21: {  	s3 =	sadd.s32 s3, s9;
	s6 =	sadd.s32 @!p0 $0x88, s6;
	s7 =	simm.s32 @p2 $0x1082  }
0x22: {  	[simem:s7], [sflag:s8] =	dma.local @!p0 [hbm:s6], $0xF7A  }
0x23: {  	s9 =	sor.u32 $0xD0000000, s2;
	s6 =	simm.s32 $0x108;
	_ =	swait.ge @!p0 [sflag:s8], $0x0  }
0x24: {  	s3 =	sadd.s32 $0x88, s3;
	s6 =	simm.s32 @!p1 $0x1082;
	[sflag:s4] =	ssyncset.s32 $0xFFFFF086  }
0x25: {  	[simem:s6], [sflag:s4] =	dma.local [hbm:s3], $0xF7A  }
0x26: {  	[smem:$0x3F8B] =	sst s1;
	(tag) =	ssettag s2;
	_ =	strace s9  }
0x27: {  	s1 =	sld [smem:$0x3F9B]  }
0x28: {  	s2 =	sld [smem:$0x3F9C]  }
0x29: {  	s4 =	sld [smem:$0x3F9E]  }
0x2a: {  	p0 =	seq.s32 s5, $0x0;
	s5 =	sld [smem:$0x3F9F]  }
0x2b: {  	s6 =	sld [smem:$0x3FA0]  }
0x2c: {  	s7 =	sld [smem:$0x3FA1]  }
0x2d: {  	s3 =	simm.s32 $0x108;
	s8 =	sld [smem:$0x3FA2]  }
0x2e: {  	s3 =	simm.s32 @!p0 $0x1082;
	s9 =	sld [smem:$0x3FA3]  }
0x2f: {  	lr =	sadd.s32 s0, s3;
	s0 =	sld [smem:$0x3F9A]  }
0x30: {  	s3 =	sld [smem:$0x3F9D]  }
0x31: {  	[smem:$0x3FA6] =	sst s10  }
0x32: {  	s10 =	sld [smem:$0x3FA4];
	_ =	sdelay $0x3  }
0x33: {  	p0 =	seq.s32 s10, $0x1;
	s10 =	sld [smem:$0x3FA6];
	_ =	sdelay $0x3  }
0x34: {  	[smem:$0x3FA6] =	sst s10  }
0x35: {  	s10 =	sld [smem:$0x3FA5];
	_ =	sdelay $0x3  }
0x36: {  	p1 =	seq.s32 s10, $0x1;
	s10 =	sld [smem:$0x3FA6];
	_ =	sdelay $0x3  }
0x37: {  	[smem:$0x3FA6] =	sst s10  }
0x38: {  	s10 =	sld [smem:$0x3FA7]  }
0x39: {  	_ = 	snop;
	(pc) =	sbr.ind lr, $3  }
0x3a: {  	_ = 	snop  }
0x3b: {  	_ = 	snop  }
0x3c: {  	p2 =	seq.s32 s10, $0x1;
	s10 =	sld [smem:$0x3FA6]  }
0x3d: {  	_ =	shalt  }
0x3e: {  	_ =	shalt  }
0x3f: {  	_ =	shalt  }
0x40: {  	_ =	shalt  }
0x41: {  	_ =	shalt  }
0x42: {  	_ =	shalt  }
0x43: {  	_ =	shalt  }
0x44: {  	_ =	shalt  }
0x45: {  	_ =	shalt  }
0x46: {  	_ =	shalt  }
0x47: {  	_ =	shalt  }
0x48: {  	_ =	shalt  }
0x49: {  	_ =	shalt  }
0x4a: {  	_ =	shalt  }
0x4b: {  	_ =	shalt  }
0x4c: {  	_ =	shalt  }
0x4d: {  	_ =	shalt  }
0x4e: {  	_ =	shalt  }
0x4f: {  	_ =	shalt  }
0x50: {  	_ =	shalt  }
0x51: {  	_ =	shalt  }
0x52: {  	_ =	shalt  }
0x53: {  	_ =	shalt  }
0x54: {  	_ =	shalt  }
0x55: {  	_ =	shalt  }
0x56: {  	_ =	shalt  }
0x57: {  	_ =	shalt  }
0x58: {  	_ =	shalt  }
0x59: {  	_ =	shalt  }
0x5a: {  	_ =	shalt  }
0x5b: {  	_ =	shalt  }
0x5c: {  	_ =	shalt  }
0x5d: {  	_ =	shalt  }
0x5e: {  	_ =	shalt  }
0x5f: {  	_ =	shalt  }
0x60: {  	_ =	shalt  }
0x61: {  	_ =	shalt  }
0x62: {  	_ =	shalt  }
0x63: {  	_ =	shalt  }
0x64: {  	_ =	shalt  }
0x65: {  	_ =	shalt  }
0x66: {  	_ =	shalt  }
0x67: {  	_ =	shalt  }
0x68: {  	_ =	shalt  }
0x69: {  	_ =	shalt  }
0x6a: {  	_ =	shalt  }
0x6b: {  	_ =	shalt  }
0x6c: {  	_ =	shalt  }
0x6d: {  	_ =	shalt  }
0x6e: {  	_ =	shalt  }
0x6f: {  	_ =	shalt  }
0x70: {  	_ =	shalt  }
0x71: {  	_ =	shalt  }
0x72: {  	_ =	shalt  }
0x73: {  	_ =	shalt  }
0x74: {  	_ =	shalt  }
0x75: {  	_ =	shalt  }
0x76: {  	_ =	shalt  }
0x77: {  	_ =	shalt  }
0x78: {  	_ =	shalt  }
0x79: {  	_ =	shalt  }
0x7a: {  	_ =	shalt  }
0x7b: {  	_ =	shalt  }
0x7c: {  	_ =	shalt  }
0x7d: {  	_ =	shalt  }
0x7e: {  	_ =	shalt  }
0x7f: {  	_ =	shalt  }
0x80: {  	_ =	shalt  }
0x81: {  	_ =	shalt  }
0x82: {  	_ =	shalt  }
0x83: {  	_ =	shalt  }
0x84: {  	_ =	shalt  }
0x85: {  	_ =	shalt  }
0x86: {  	_ =	shalt  }
0x87: {  	_ =	shalt  }
.Lfunc_end0:
.L_simem_size_0:
called_computation_lowered:
.L_overlay_start_0:
0x88: {  	s2 =	sld [smem:$0x3FD9]  }
0x89: {  	s3 =	sld [smem:$0x3FFE];
	_ =	sdelay $0x1  }
0x8a: {  	s1 =	srdreg.scid  }
0x8b: {  	s0 =	sand.u32 $0x1, s1  }
0x8c: {  	s16 =	sshll.u32 s0, $0xA;
	s2 =	sadd.s32 s3, s2  }
0x8d: {  	s2 =	sadd.s32 s2, s16  }
0x8e: {  	[smem:$0x3FB2] =	sst s2  }
0x8f: {  	_ = 	snop  }
0x90: {  	(tm) =	ssettm $0x1  }
0x91: {  	s17 =	sld [smem:$0x3FFB];
	_ =	sdelay $0x3  }
0x92: {  	_ =	strace s17  }
0x93: {  	s2 =	sld [smem:$0x3FFC];
	_ =	sdelay $0x3  }
0x94: {  	_ =	strace s2  }
0x95: {  	s2 =	sld [smem:$0x3FFD];
	_ =	sdelay $0x3  }
0x96: {  	_ =	strace s2  }
0x97: {  	_ =	strace $0x8FFFFFFF  }
0x98: {  	s18 =	sld [smem:$0x3FDB];
	_ =	sdelay $0x1  }
0x99: {  	s19 =	simm.s32 $_scs_section_size  }
0x9a: {  	s4 =	simm.s32 $_size__tile_overlayer_lowered;
	s5 =	simm.s32 $_tile_overlayer_lowered  }
0x9b: {  	s22 =	simm.s32 $0x1BFF;
	s21 =	sshll.u32 s5, $0x1;
	s2 =	sadd.s32 s19, s18  }
0x9c: {  	s6 =	simm.s32 $0x0;
	s20 =	sshll.u32 s4, $0x1;
	s4 =	sadd.s32 s21, s2  }
0x9d: {  	[timem:s6], [sflag:s22] =	dma.local [hbm:s4], s20  }
0x9e: {  	_ =	swait.ge [sflag:s22], s20  }
0x9f: {  	s3 =	ssub.s32 $0x0, s20;
	[sflag:s22] =	ssyncset.done $0x0  }
0xa0: {  	[sflag:s22] =	ssyncadd.s32 s3;
	_ =	sdelay $0x1  }
0xa1: {  	s23 =	simm.s32 $0x1B8B  }
0xa2: {  	_ =	swait.ge [sflag:s23], $0x1  }
0xa3: {  	[sflag:s23] =	ssyncset.done $0x0  }
0xa4: {  	s25 =	simm.s32 $0x1B8E;
	s24 =	sld [smem:$0x3FFE];
	[sflag:s23] =	ssyncadd.s32 $0xFFFFFFFF  }
0xa5: {  	s26 =	simm.s32 $execute0_lowered;
	[smem:$0x3FD2] =	sst s25  }
0xa6: {  	s4 =	sshll.u32 s26, $0x1;
	_ =	strace $0x80000046;
	[dreg:$0x1] =	wrdreg $0xFFFFFFFF  }
0xa7: {  	s28 =	simm.s32 $_size_execute0_lowered;
	s2 =	sadd.s32 s2, s4;
	[dreg:$0x0] =	wrdreg $0x0  }
0xa8: {  	s4 =	sshll.u32 s28, $0x1;
	[dreg:$0x2] =	wrdreg s2  }
0xa9: {  	[dreg:$0x3] =	wrdreg s4  }
0xaa: {  	[dreg:$0x4] =	wrdreg $0xC0  }
0xab: {  	_ =	task [dreg:s6], $0x5FFFF  }
0xac: {  	[dreg:$0x1] =	wrdreg $0xFFFFFFFF  }
0xad: {  	[dreg:$0x0] =	wrdreg $0x60  }
0xae: {  	[dreg:$0x2] =	wrdreg s24  }
0xaf: {  	[dreg:$0x3] =	wrdreg $0x9  }
0xb0: {  	_ =	task.clear_ibuf [dreg:s6], $0x4FFFF;
	_ =	strace $0x90000046  }
0xb1: {  	s29 =	simm.s32 $0x9;
	_ =	strace $0x80000048  }
0xb2: {  	_ =	swait.ge [sflag:s29], $0x1  }
0xb3: {  	[sflag:s29] =	ssyncadd.s32 $0xFFFFFFFF  }
0xb4: {  	_ =	strace $0x90000048  }
0xb5: {  	_ =	sfence  }
0xb6: {  	s30 =	sld [smem:$0x0];
	_ =	sdelay $0x2  }
0xb7: {  	s31 =	sshll.u32 s1, $0xD;
	s1 =	sshrl.u32 s1, $0x2  }
0xb8: {  	s3 =	sand.u32 $0x4000, s31;
	s1 =	sadd.s32 s1, s30  }
0xb9: {  	s0 =	sor.u32 s3, s0;
	s1 =	sshll.u32 s1, $0x11  }
0xba: {  	s0 =	sor.u32 s1, s0  }
0xbb: {  	s0 =	sadd.s32 $0x8F2B, s0  }
0xbc: {  	[sflag:s0] =	ssyncadd.remote.s32 $0x1  }
0xbd: {  	_ =	sfence.sel $0xFFFF  }
0xbe: {  	[dreg:$0x0] =	wrdreg $0xFFFFFFFF;
	(pc) =	sbr.abs _section_cstart, $3  }
0xbf: {  	[dreg:$0x1] =	wrdreg $0xFFFFFFFF  }
0xc0: {  	_ =	task.clear_ibuf [dreg:s6], $0x2FFFF;
	_ =	strace $0x9FFFFFFF  }
0xc1: {  	(tm) =	ssettm $0x7FFFFFFF  }
tec
execute0_lowered:
.L_overlay_start_1:
0x0: {  	(tag) =	ssettag $0x1  }
0x1: {  	s1 =	srdreg.scid  }
0x2: {  	s0 =	stileid.u32;
	s4 =	rddreg [dreg:$0x0]  }
0x3: {  	s2 =	simm.s32 $0x0;
	s9 =	simm.s32 $0x4F00;
	s10 =	simm.s32 $0x1  }
0x4: {  	s11 =	simm.s32 $0x2780;
	s3 =	sand.u32 $0x1, s1;
	s5 =	sshll.u32 s0, $0x1  }
0x5: {  	s12 =	simm.s32 $0x18780;
	s13 =	simm.s32 $0x1AF00;
	s5 =	sor.u32 s3, s5  }
0x6: {  	s1 =	rddreg [dreg:$0x1];
	s6 =	ssub.s32 $0x2, s3;
	s5 =	smul.u32 $0x4F0, s5  }
0x7: {  	s14 =	simm.s32 $0x0;
	[smem:$0x7FF] =	sst s2;
	s31 =	sshrl.u32 s6, $0x1  }
0x8: {  	_ =	strace $0x80000047;
	s8 =	ssub.s32 s6, s31;
	s7 =	sadd.s32 s5, s4  }
0x9: {  	s3 =	sadd.s32 $0x17800, s4;
	s8 =	smax.u32 s8, $0x1;
	s4 =	sadd.s32 $0xDA00, s7  }
0xa: {  	s5 =	sadd.s32 $0x3C00, s7;
	s6 =	sadd.s32 $0x1A000, s7;
	s7 =	sadd.s32 $0x23E00, s7  }
.LBB2_1:
0xb: {  	[tilespmem:s9], [sflag:$0x1] =	stream.linear.gather [hbm4b:s3+s2], $0x13880, $0x38;
	[tilespmem:$0x1D680] =	vst v63  }
0xc: {  	_ =	swait.ge [sflag:s10], $0x13880  }
0xd: {  	[sflag:s10] =	ssyncset.done $0x0  }
0xe: {  	[sflag:s10] =	ssyncadd.s32 $0xFFFEC780  }
0xf: {  	[tilespmem:s2], [sflag:$0x1] =	stream.linear.gather [hbm4b:s4+s2], $0x2780, $0x38;
	[tilespmem:$0x1D680] =	vst v63  }
0x10: {  	_ =	swait.ge [sflag:s10], $0x2780  }
0x11: {  	[sflag:s10] =	ssyncset.done $0x0  }
0x12: {  	[sflag:s10] =	ssyncadd.s32 $0xFFFFD880  }
0x13: {  	[tilespmem:s11], [sflag:$0x1] =	stream.linear.gather [hbm4b:s5+s2], $0x2780, $0x38;
	[tilespmem:$0x1D680] =	vst v63  }
0x14: {  	_ =	swait.ge [sflag:s10], $0x2780  }
0x15: {  	[sflag:s10] =	ssyncset.done $0x0  }
0x16: {  	s16 =	simm.s32 $0x0;
	[sflag:s10] =	ssyncadd.s32 $0xFFFFD880  }
0x17: {  	v0 =	vld [tilespmem:s16+$0x0]  }
0x18: {  	v1 =	vld [tilespmem:s16+$0x2780];
	_ =	sdelay $0x3  }
0x19: {  	v2 =	vshll.u32 v0, $0x3  }
0x1a: {  	v0 =	vshll.u32 v1, $0x3;
	v1 =	vor.u32 $0x1, v2;
	_ =	sdelay $0x1  }
0x1b: {  	v3 =	vor.u32 $0x2, v0;
	_ =	sdelay $0x1  }
0x1c: {  	v7 =	vor.u32 $0x1, v0;
	v6 =	vld.idx.msk [tilespmem:v2+s9+$0x0], $0xffff  }
0x1d: {  	v5 =	vld.idx.msk [tilespmem:v1+s9+$0x0], $0xffff;
	v1 =	vor.u32 $0x2, v2  }
0x1e: {  	v8 =	vld.idx.msk [tilespmem:v0+s9+$0x0], $0xffff  }
0x1f: {  	s15 =	simm.s32 $0x10;
	v4 =	vld.idx.msk [tilespmem:v3+s9+$0x0], $0xffff  }
0x20: {  	v3 =	vld [tilespmem:s15+$0x2780]  }
0x21: {  	v7 =	vld.idx.msk [tilespmem:v7+s9+$0x0], $0xffff  }
0x22: {  	v9 =	vld.idx.msk [tilespmem:v1+s9+$0x0], $0xffff  }
0x23: {  	s17 =	simm.s32 $0x80;
	v1 =	vld [tilespmem:s15+$0x0]  }
.LBB2_2:
0x24: {  	p0 =	sne.s32 s17, $0x9DC0;
	s18 =	smov.u32 s17;
	s17 =	sadd.s32 $0x40, s17  }
0x25: {  	_ = 	snop  }
0x26: {  	v3 =	vshll.u32 v3, $0x3;
	v5 =	vsub.f32 v7, v5  }
0x27: {  	v6 =	vsub.f32 v8, v6  }
0x28: {  	v4 =	vsub.f32 v4, v9;
	v5 =	vmul.f32 v5, v5  }
0x29: {  	v6 =	vmul.f32 v6, v6  }
0x2a: {  	v4 =	vmul.f32 v4, v4  }
0x2b: {  	v5 =	vadd.f32 v5, v6;
	_ =	sdelay $0x1  }
0x2c: {  	v4 =	vadd.f32 v4, v5;
	_ =	sdelay $0x1  }
0x2d: {  	v4 =	vadd.f32 $9.999999960e-13, v4;
	_ =	sdelay $0x1  }
0x2e: {  	v5 =	vshrl.u32 v4, $0x1;
	v6 =	vmul.f32 $5.000000000e-01, v4  }
0x2f: {  	v7 =	vor.u32 $0x4, v0;
	v0 =	vmov v3;
	v5 =	vsub.s32 $0x5F3759DF, v5  }
0x30: {  	v3 =	vmul.f32 v5, v6  }
0x31: {  	v2 =	vor.u32 $0x3, v2  }
0x32: {  	v3 =	vmul.f32 v5, v3;
	_ =	sdelay $0x1  }
0x33: {  	v3 =	vsub.f32 $1.500000000e+00, v3;
	v7 =	vld.idx.msk [tilespmem:v7+s9+$0x0], $0xffff;
	_ =	sdelay $0x1  }
0x34: {  	v3 =	vmul.f32 v5, v3;
	v2 =	vld.idx.msk [tilespmem:v2+s9+$0x0], $0xffff;
	_ =	sdelay $0x1  }
0x35: {  	v5 =	vmul.f32 v3, v6;
	_ =	sdelay $0x1  }
0x36: {  	v5 =	vmul.f32 v5, v3;
	v7 =	vmul.f32 $1.024000000e+03, v7;
	_ =	sdelay $0x1  }
0x37: {  	v5 =	vsub.f32 $1.500000000e+00, v5;
	v2 =	vadd.f32 v7, v2;
	_ =	sdelay $0x1  }
0x38: {  	v3 =	vmul.f32 v5, v3;
	v2 =	vtrunc.f32 v2  }
0x39: {  	v2 =	vcvt.f32.s32 v2  }
0x3a: {  	v5 =	vmul.f32 v3, v6  }
0x3b: {  	[tilespmem:s16+$0x1AF00] =	vst v2  }
0x3c: {  	v2 =	vmul.f32 v5, v3;
	_ =	sdelay $0x1  }
0x3d: {  	v5 =	vsub.f32 $1.500000000e+00, v2  }
0x3e: {  	v2 =	vshll.u32 v1, $0x3  }
0x3f: {  	v7 =	vor.u32 $0x1, v0;
	v1 =	vor.u32 $0x1, v2;
	v3 =	vmul.f32 v5, v3  }
0x40: {  	v6 =	vor.u32 $0x2, v0  }
0x41: {  	v3 =	vmul.f32 v3, v4;
	_ =	sdelay $0x1  }
0x42: {  	[tilespmem:s16+$0x18780] =	vst v3;
	s16 =	smov.u32 s15  }
0x43: {  	v5 =	vld.idx.msk [tilespmem:v1+s9+$0x0], $0xffff  }
0x44: {  	v1 =	vor.u32 $0x2, v2;
	v4 =	vld.idx.msk [tilespmem:v6+s9+$0x0], $0xffff  }
0x45: {  	s15 =	sshra.s32 s18, $0x2;
	v6 =	vld.idx.msk [tilespmem:v2+s9+$0x0], $0xffff  }
.Ltmp0:
0x46: {  	v3 =	vld [tilespmem:s15+$0x2780];
	(pc) =	sbr.rel @p0 .LBB2_2-.Ltmp0, $4  }
0x47: {  	v7 =	vld.idx.msk [tilespmem:v7+s9+$0x0], $0xffff  }
0x48: {  	v8 =	vld.idx.msk [tilespmem:v0+s9+$0x0], $0xffff  }
0x49: {  	v9 =	vld.idx.msk [tilespmem:v1+s9+$0x0], $0xffff  }
0x4a: {  	v1 =	vld [tilespmem:s15+$0x0]  }
0x4b: {  	_ =	sdelay $0x1  }
0x4c: {  	v5 =	vsub.f32 v7, v5;
	v6 =	vsub.f32 v8, v6;
	_ =	sdelay $0x1  }
0x4d: {  	v4 =	vsub.f32 v4, v9;
	v5 =	vmul.f32 v5, v5;
	v6 =	vmul.f32 v6, v6;
	_ =	sdelay $0x1  }
0x4e: {  	v4 =	vmul.f32 v4, v4;
	v5 =	vadd.f32 v5, v6;
	_ =	sdelay $0x1  }
0x4f: {  	v4 =	vadd.f32 v4, v5;
	_ =	sdelay $0x1  }
0x50: {  	v4 =	vadd.f32 $9.999999960e-13, v4;
	_ =	sdelay $0x1  }
0x51: {  	v48 =	vshrl.u32 v4, $0x1;
	v49 =	vmul.f32 $5.000000000e-01, v4  }
0x52: {  	v5 =	vsub.s32 $0x5F3759DF, v48  }
0x53: {  	v50 =	vmul.f32 v5, v49;
	_ =	sdelay $0x1  }
0x54: {  	v7 =	vmul.f32 v5, v50;
	_ =	sdelay $0x1  }
0x55: {  	v7 =	vsub.f32 $1.500000000e+00, v7;
	_ =	sdelay $0x1  }
0x56: {  	v5 =	vmul.f32 v5, v7;
	_ =	sdelay $0x1  }
0x57: {  	v0 =	vor.u32 $0x4, v0;
	v7 =	vmul.f32 v5, v49;
	_ =	sdelay $0x1  }
0x58: {  	v2 =	vor.u32 $0x3, v2;
	v7 =	vmul.f32 v7, v5;
	_ =	sdelay $0x1  }
0x59: {  	v7 =	vsub.f32 $1.500000000e+00, v7  }
0x5a: {  	v0 =	vld.idx.msk [tilespmem:v0+s9+$0x0], $0xffff  }
0x5b: {  	v5 =	vmul.f32 v7, v5  }
0x5c: {  	v2 =	vld.idx.msk [tilespmem:v2+s9+$0x0], $0xffff  }
0x5d: {  	v6 =	vmul.f32 v5, v49;
	_ =	sdelay $0x1  }
0x5e: {  	v0 =	vmul.f32 $1.024000000e+03, v0;
	v6 =	vmul.f32 v6, v5;
	_ =	sdelay $0x1  }
0x5f: {  	v0 =	vadd.f32 v0, v2;
	v51 =	vsub.f32 $1.500000000e+00, v6  }
0x60: {  	v1 =	vshll.u32 v1, $0x3  }
0x61: {  	v52 =	vor.u32 $0x1, v1;
	v0 =	vtrunc.f32 v0;
	v2 =	vmul.f32 v51, v5  }
0x62: {  	v3 =	vshll.u32 v3, $0x3;
	v0 =	vcvt.f32.s32 v0  }
0x63: {  	v53 =	vor.u32 $0x1, v3;
	v2 =	vmul.f32 v2, v4  }
0x64: {  	[tilespmem:s16+$0x1AF00] =	vst v0  }
0x65: {  	v54 =	vor.u32 $0x2, v3;
	[tilespmem:s16+$0x18780] =	vst v2  }
0x66: {  	v55 =	vor.u32 $0x2, v1;
	v2 =	vld.idx.msk [tilespmem:v52+s9+$0x0], $0xffff  }
0x67: {  	v56 =	vld.idx.msk [tilespmem:v1+s9+$0x0], $0xffff  }
0x68: {  	v5 =	vld.idx.msk [tilespmem:v53+s9+$0x0], $0xffff  }
0x69: {  	v57 =	vld.idx.msk [tilespmem:v3+s9+$0x0], $0xffff  }
0x6a: {  	v0 =	vld.idx.msk [tilespmem:v54+s9+$0x0], $0xffff  }
0x6b: {  	v4 =	vld.idx.msk [tilespmem:v55+s9+$0x0], $0xffff;
	_ =	sdelay $0x2  }
0x6c: {  	v2 =	vsub.f32 v5, v2;
	v58 =	vsub.f32 v57, v56;
	_ =	sdelay $0x1  }
0x6d: {  	v0 =	vsub.f32 v0, v4;
	v2 =	vmul.f32 v2, v2;
	v59 =	vmul.f32 v58, v58;
	_ =	sdelay $0x1  }
0x6e: {  	v0 =	vmul.f32 v0, v0;
	v2 =	vadd.f32 v2, v59;
	_ =	sdelay $0x1  }
0x6f: {  	v0 =	vadd.f32 v0, v2;
	_ =	sdelay $0x1  }
0x70: {  	v0 =	vadd.f32 $9.999999960e-13, v0;
	_ =	sdelay $0x1  }
0x71: {  	v60 =	vshrl.u32 v0, $0x1;
	v61 =	vmul.f32 $5.000000000e-01, v0  }
0x72: {  	v2 =	vsub.s32 $0x5F3759DF, v60  }
0x73: {  	v62 =	vmul.f32 v2, v61;
	_ =	sdelay $0x1  }
0x74: {  	v5 =	vmul.f32 v2, v62;
	_ =	sdelay $0x1  }
0x75: {  	v5 =	vsub.f32 $1.500000000e+00, v5;
	_ =	sdelay $0x1  }
0x76: {  	v2 =	vmul.f32 v2, v5;
	_ =	sdelay $0x1  }
0x77: {  	v3 =	vor.u32 $0x4, v3;
	v5 =	vmul.f32 v2, v61;
	_ =	sdelay $0x1  }
0x78: {  	v1 =	vor.u32 $0x3, v1;
	v5 =	vmul.f32 v5, v2;
	_ =	sdelay $0x1  }
0x79: {  	v5 =	vsub.f32 $1.500000000e+00, v5  }
0x7a: {  	v3 =	vld.idx.msk [tilespmem:v3+s9+$0x0], $0xffff  }
0x7b: {  	v2 =	vmul.f32 v5, v2  }
0x7c: {  	v1 =	vld.idx.msk [tilespmem:v1+s9+$0x0], $0xffff  }
0x7d: {  	v4 =	vmul.f32 v2, v61;
	_ =	sdelay $0x1  }
0x7e: {  	v3 =	vmul.f32 $1.024000000e+03, v3;
	v4 =	vmul.f32 v4, v2;
	_ =	sdelay $0x1  }
0x7f: {  	v1 =	vadd.f32 v3, v1;
	v63 =	vsub.f32 $1.500000000e+00, v4;
	_ =	sdelay $0x1  }
0x80: {  	v1 =	vtrunc.f32 v1;
	v2 =	vmul.f32 v63, v2  }
0x81: {  	v1 =	vcvt.f32.s32 v1  }
0x82: {  	v0 =	vmul.f32 v2, v0  }
0x83: {  	[tilespmem:s15+$0x1AF00] =	vst v1  }
0x84: {  	[tilespmem:s15+$0x18780] =	vst v0  }
0x85: {  	[hbm4b:s6+s2] =	stream.linear.scatter [tilespmem:s12], [sflag:$0x1], $0x2780, $0x38;
	[tilespmem:$0x1D680] =	vst v63  }
0x86: {  	s14 =	sadd.s32 $0x1, s14;
	_ =	swait.ge [sflag:s10], $0x2780  }
0x87: {  	p0 =	sne.s32 s14, s8;
	[sflag:s10] =	ssyncset.done $0x0  }
.Ltmp1:
0x88: {  	[sflag:s10] =	ssyncadd.s32 $0xFFFFD880;
	(pc) =	sbr.rel @p0 .LBB2_1-.Ltmp1, $4  }
0x89: {  	[hbm4b:s7+s2] =	stream.linear.scatter [tilespmem:s13], [sflag:$0x1], $0x2780, $0x38;
	[tilespmem:$0x1D680] =	vst v63  }
0x8a: {  	_ =	swait.ge [sflag:s10], $0x2780  }
0x8b: {  	[sflag:s10] =	ssyncset.done $0x0  }
0x8c: {  	[sflag:s10] =	ssyncadd.s32 $0xFFFFD880  }
0x8d: {  	_ =	sfence.sel $0x180000  }
0x8e: {  	[bflag:$0x0] =	sbarrier.arrive $0xFFFF  }
0x8f: {  	p0 =	sne.s32 s0, $0x0;
	_ =	strace $0x90000047  }
0x90: {  	s0 =	sadd.s32 @!p0 $0x100000, s1;
	[bflag:$0x2] =	sbarrier.arrive $0xFFFF  }
0x91: {  	[sflag:s0] =	ssyncadd.tile.s32 @!p0 $0x1;
	_ =	shalt  }
.Lfunc_end2:
_tile_overlayer_lowered:
.L_overlay_start_2:
0x92: {  	(tag) =	ssettag $0x2  }
0x93: {  	s0 =	rddreg [dreg:$0x0];
	s2 =	stileid.u32  }
0x94: {  	s1 =	rddreg [dreg:$0x1];
	p0 =	sne.s32 s2, $0x0  }
0x95: {  	s3 =	rddreg [dreg:$0x2];
	[bflag:$0x3] =	sbarrier.arrive $0xFFFF;
	s2 =	simm.s32 @!p0 $0x1C01  }
0x96: {  	[timem:s3], [sflag:s2] =	dma.local @!p0 [hbm:s0], s1  }
0x97: {  	s0 =	simm.s32 @!p0 $0x1  }
0x98: {  	_ =	swait.ge @!p0 [sflag:s0], s1  }
0x99: {  	s1 =	ssub.s32 @!p0 $0x0, s1;
	[sflag:s0] =	ssyncset.done @!p0 $0x0  }
0x9a: {  	[sflag:s0] =	ssyncadd.s32 @!p0 s1  }
0x9b: {  	[bflag:$0x3] =	sbarrier.arrive $0xFFFF  }
0x9c: {  	_ =	shalt  }

</sc_bundles>
